<compile_context>
chip_gen: v7x
topology: tpu7x:2x2x1
jax: 0.10.2.dev20260603
libtpu: 0.0.44.dev20260713+nightly
codegen_flags: <defaults>
</compile_context>

<pallas_src>
import functools

import jax
import jax.numpy as jnp
from jax import lax
from jax.experimental import pallas as pl
from jax.experimental.pallas import tpu as pltpu
from jax.experimental.pallas import tpu_sc as plsc

N_ROWS = 100000
DIM = 128
TABLE_ROWS = 4
CHUNK = 160
NCHUNK = N_ROWS // CHUNK
LANES = 16
NWORKERS = 32
NBUF = 5
LOOKAHEAD = 2


def _make_sc_kernel():
    mesh = plsc.VectorSubcoreMesh(core_axis_name="c", subcore_axis_name="s")

    @functools.partial(
        pl.kernel,
        mesh=mesh,
        out_type=jax.ShapeDtypeStruct((N_ROWS, DIM), jnp.float32),
        scratch_types=[
            pltpu.VMEM_SHARED((TABLE_ROWS, DIM), jnp.float32),
        ]
        + [pltpu.VMEM((CHUNK,), jnp.int32)] * NBUF
        + [pltpu.VMEM((CHUNK, DIM), jnp.float32)] * NBUF
        + [pltpu.SemaphoreType.DMA] * NBUF
        + [pltpu.SemaphoreType.DMA] * NBUF,
    )
    def sc_kernel(x_hbm, oh_hbm, emb_hbm, out_hbm, emb_v, *scratch):
        idx_v = scratch[:NBUF]
        xbuf = scratch[NBUF:2 * NBUF]
        load_sems = scratch[2 * NBUF:3 * NBUF]
        store_sems = scratch[3 * NBUF:]
        wid = lax.axis_index("s") * 2 + lax.axis_index("c")

        nch = (NCHUNK - wid + NWORKERS - 1) // NWORKERS

        def chunk_base(i):
            return (wid + i * NWORKERS) * CHUNK

        def start_load(i, b):
            base = chunk_base(i)
            pltpu.async_copy(x_hbm.at[pl.ds(base, CHUNK)], xbuf[b], load_sems[b])
            pltpu.async_copy(oh_hbm.at[pl.ds(base, CHUNK)], idx_v[b], load_sems[b])

        def wait_load(i, b):
            base = chunk_base(i)
            pltpu.make_async_copy(
                x_hbm.at[pl.ds(base, CHUNK)], xbuf[b], load_sems[b]).wait()
            pltpu.make_async_copy(
                oh_hbm.at[pl.ds(base, CHUNK)], idx_v[b], load_sems[b]).wait()

        def start_store(i, b):
            base = chunk_base(i)
            pltpu.async_copy(xbuf[b], out_hbm.at[pl.ds(base, CHUNK)], store_sems[b])

        def wait_store(i, b):
            base = chunk_base(i)
            pltpu.make_async_copy(
                xbuf[b], out_hbm.at[pl.ds(base, CHUNK)], store_sems[b]).wait()

        def compute(b):
            pltpu.sync_copy(emb_v.at[idx_v[b]], xbuf[b], add=True)

        for i in range(LOOKAHEAD):
            start_load(i, i % NBUF)

        @pl.when(lax.axis_index("s") == 0)
        def _():
            pltpu.sync_copy(emb_hbm, emb_v)

        plsc.subcore_barrier()

        def outer(i0, _):
            for db in range(NBUF):
                i = i0 * NBUF + db
                b = db

                @pl.when(i < nch)
                def _():
                    @pl.when(i + LOOKAHEAD < nch)
                    def _():
                        bl = (db + LOOKAHEAD) % NBUF

                        @pl.when(i >= NBUF - LOOKAHEAD)
                        def _():
                            wait_store(i + LOOKAHEAD - NBUF, bl)

                        start_load(i + LOOKAHEAD, bl)

                    wait_load(i, b)
                    compute(b)
                    start_store(i, b)

            return 0

        nouter = (NCHUNK // NWORKERS + NBUF) // NBUF
        lax.fori_loop(0, nouter, outer, 0)

        for db in range(NBUF):
            wait_store(0, db)

    return sc_kernel


_SC_KERNEL = _make_sc_kernel()


def kernel(x, node_onehot, emb):
    return _SC_KERNEL(x, node_onehot, emb)

# --- scband reference (transcript-rebuilt; emitter-appended) ---
"""Pipeline reference for scband-node-one-hot-64991445123829 (READ-ONLY COPY).

The authoritative reference and input builder live on the scoring server;
editing this copy changes nothing except your own understanding.
"""

import jax, jax.numpy as jnp
import numpy as np

N_NODES = 100000
DIM_IN = 4   # 1 + len(cfg.hsg.num_hierarchy_nodes), assuming 3 hierarchy levels
DIM_OUT = 128


def setup_inputs(seed: int = 0) -> dict:
    key = jax.random.key(seed)
    k1, k2, k3 = jax.random.split(key, 3)
    x = jax.random.normal(k1, (N_NODES, DIM_OUT), dtype=jnp.float32)
    node_onehot = jax.random.randint(k2, (N_NODES,), 0, DIM_IN, dtype=jnp.int32)
    # learned parameter: nn.Embedding(DIM_IN, DIM_OUT) weight
    emb = jax.random.normal(k3, (DIM_IN, DIM_OUT), dtype=jnp.float32) * 0.02
    return {"x": x, "node_onehot": node_onehot, "emb": emb}


def reference(x, node_onehot, emb):
    # cfg.hsg.mask_hsg_nodes == False branch:
    # batch.x = batch.x + self.model(batch.node_onehot)
    looked_up = jnp.take(emb, node_onehot, axis=0)
    return x + looked_up

if __name__ == "__main__":
    import jax
    _d = setup_inputs()
    print(jax.jit(kernel)(*tuple(_d.values())))

</pallas_src>

<mosaic_0001>
#map = affine_map<(d0, d1) -> (0, 0)>
#map1 = affine_map<(d0, d1) -> (0)>
module attributes {stable_mosaic.version = 14 : i64} {
  func.func @sc_kernel(%arg0: i32, %arg1: i32, %arg2: memref<100000x128xf32, #tpu.memory_space<hbm>>, %arg3: memref<100000xi32, #tpu.memory_space<hbm>>, %arg4: memref<4x128xf32, #tpu.memory_space<hbm>>, %arg5: memref<100000x128xf32, #tpu.memory_space<hbm>>, %arg6: memref<4x128xf32, #tpu.memory_space<vmem_shared>>, %arg7: memref<160xi32, #tpu.memory_space<vmem>>, %arg8: memref<160xi32, #tpu.memory_space<vmem>>, %arg9: memref<160xi32, #tpu.memory_space<vmem>>, %arg10: memref<160xi32, #tpu.memory_space<vmem>>, %arg11: memref<160xi32, #tpu.memory_space<vmem>>, %arg12: memref<160x128xf32, #tpu.memory_space<vmem>>, %arg13: memref<160x128xf32, #tpu.memory_space<vmem>>, %arg14: memref<160x128xf32, #tpu.memory_space<vmem>>, %arg15: memref<160x128xf32, #tpu.memory_space<vmem>>, %arg16: memref<160x128xf32, #tpu.memory_space<vmem>>, %arg17: memref<!tpu.dma_semaphore, #tpu.memory_space<semaphore_mem>>, %arg18: memref<!tpu.dma_semaphore, #tpu.memory_space<semaphore_mem>>, %arg19: memref<!tpu.dma_semaphore, #tpu.memory_space<semaphore_mem>>, %arg20: memref<!tpu.dma_semaphore, #tpu.memory_space<semaphore_mem>>, %arg21: memref<!tpu.dma_semaphore, #tpu.memory_space<semaphore_mem>>, %arg22: memref<!tpu.dma_semaphore, #tpu.memory_space<semaphore_mem>>, %arg23: memref<!tpu.dma_semaphore, #tpu.memory_space<semaphore_mem>>, %arg24: memref<!tpu.dma_semaphore, #tpu.memory_space<semaphore_mem>>, %arg25: memref<!tpu.dma_semaphore, #tpu.memory_space<semaphore_mem>>, %arg26: memref<!tpu.dma_semaphore, #tpu.memory_space<semaphore_mem>>) attributes {dimension_semantics = [#tpu.dimension_semantics<core_parallel>, #tpu.dimension_semantics<subcore_parallel>], iteration_bounds = array<i64: 2, 16>, scalar_prefetch = 0 : i64, scratch_operands = 21 : i64, tpu.core_type = #tpu.core_type<sc_vector_subcore>, window_params = [{transform_indices = #map}, {transform_indices = #map1}, {transform_indices = #map}, {transform_indices = #map}]} {
    %mul3A = arith.constant 2 : i32
    %mul3A_0 = arith.muli %arg1, %mul3A : i32
    %add3A = arith.addi %mul3A_0, %arg0 : i32
    %sub3A = arith.constant 625 : i32
    %sub3A_1 = arith.subi %sub3A, %add3A : i32
    %add3A_2 = arith.constant 32 : i32
    %add3A_3 = arith.addi %sub3A_1, %add3A_2 : i32
    %sub3A_4 = arith.constant 1 : i32
    %sub3A_5 = arith.subi %add3A_3, %sub3A_4 : i32
    %jit3A = arith.constant 32 : i32
    %div3A = arith.divsi %sub3A_5, %jit3A : i32
    %sign3A = arith.constant 0 : i32
    %sign3A_6 = arith.cmpi sgt, %sub3A_5, %sign3A : i32
    %sign3A_7 = arith.extui %sign3A_6 : i1 to i32
    %sign3A_8 = arith.constant 0 : i32
    %sign3A_9 = arith.cmpi slt, %sub3A_5, %sign3A_8 : i32
    %sign3A_10 = arith.extui %sign3A_9 : i1 to i32
    %sign3A_11 = arith.subi %sign3A_7, %sign3A_10 : i32
    %sign3A_12 = arith.constant 0 : i32
    %sign3A_13 = arith.cmpi sgt, %jit3A, %sign3A_12 : i32
    %sign3A_14 = arith.extui %sign3A_13 : i1 to i32
    %sign3A_15 = arith.constant 0 : i32
    %sign3A_16 = arith.cmpi slt, %jit3A, %sign3A_15 : i32
    %sign3A_17 = arith.extui %sign3A_16 : i1 to i32
    %sign3A_18 = arith.subi %sign3A_14, %sign3A_17 : i32
    %ne3A = arith.cmpi ne, %sign3A_11, %sign3A_18 : i32
    %rem3A = arith.remsi %sub3A_5, %jit3A : i32
    %ne3A_19 = arith.constant 0 : i32
    %ne3A_20 = arith.cmpi ne, %rem3A, %ne3A_19 : i32
    %and3A = arith.andi %ne3A, %ne3A_20 : i1
    %sub3A_21 = arith.constant 1 : i32
    %sub3A_22 = arith.subi %div3A, %sub3A_21 : i32
    %select_n3A = arith.select %and3A, %sub3A_22, %div3A : i32
    %add3A_23 = arith.constant 0 : i32
    %add3A_24 = arith.addi %add3A, %add3A_23 : i32
    %mul3A_25 = arith.constant 160 : i32
    %mul3A_26 = arith.muli %add3A_24, %mul3A_25 : i32
    %dma_start3A = arith.constant 0 : i32
    %dma_start3A_27 = tpu.memref_slice %arg2[%mul3A_26, %dma_start3A] : memref<100000x128xf32, #tpu.memory_space<hbm>> -> memref<160x128xf32, #tpu.memory_space<hbm>>
    %dma_start3A_28 = arith.constant 0 : i32
    %dma_start3A_29 = tpu.memref_slice %arg2[%mul3A_26, %dma_start3A_28] : memref<100000x128xf32, #tpu.memory_space<hbm>> -> memref<160x128xf32, #tpu.memory_space<hbm>>
    tpu.enqueue_dma source(%dma_start3A_29 : memref<160x128xf32, #tpu.memory_space<hbm>>) target(%arg12 : memref<160x128xf32, #tpu.memory_space<vmem>>) target_semaphore(%arg17 : memref<!tpu.dma_semaphore, #tpu.memory_space<semaphore_mem>>)
    %dma_start3A_30 = tpu.memref_slice %arg3[%mul3A_26] : memref<100000xi32, #tpu.memory_space<hbm>> -> memref<160xi32, #tpu.memory_space<hbm>>
    %dma_start3A_31 = tpu.memref_slice %arg3[%mul3A_26] : memref<100000xi32, #tpu.memory_space<hbm>> -> memref<160xi32, #tpu.memory_space<hbm>>
    tpu.enqueue_dma source(%dma_start3A_31 : memref<160xi32, #tpu.memory_space<hbm>>) target(%arg7 : memref<160xi32, #tpu.memory_space<vmem>>) target_semaphore(%arg17 : memref<!tpu.dma_semaphore, #tpu.memory_space<semaphore_mem>>)
    %add3A_32 = arith.constant 32 : i32
    %add3A_33 = arith.addi %add3A, %add3A_32 : i32
    %mul3A_34 = arith.constant 160 : i32
    %mul3A_35 = arith.muli %add3A_33, %mul3A_34 : i32
    %dma_start3A_36 = arith.constant 0 : i32
    %dma_start3A_37 = tpu.memref_slice %arg2[%mul3A_35, %dma_start3A_36] : memref<100000x128xf32, #tpu.memory_space<hbm>> -> memref<160x128xf32, #tpu.memory_space<hbm>>
    %dma_start3A_38 = arith.constant 0 : i32
    %dma_start3A_39 = tpu.memref_slice %arg2[%mul3A_35, %dma_start3A_38] : memref<100000x128xf32, #tpu.memory_space<hbm>> -> memref<160x128xf32, #tpu.memory_space<hbm>>
    tpu.enqueue_dma source(%dma_start3A_39 : memref<160x128xf32, #tpu.memory_space<hbm>>) target(%arg13 : memref<160x128xf32, #tpu.memory_space<vmem>>) target_semaphore(%arg18 : memref<!tpu.dma_semaphore, #tpu.memory_space<semaphore_mem>>)
    %dma_start3A_40 = tpu.memref_slice %arg3[%mul3A_35] : memref<100000xi32, #tpu.memory_space<hbm>> -> memref<160xi32, #tpu.memory_space<hbm>>
    %dma_start3A_41 = tpu.memref_slice %arg3[%mul3A_35] : memref<100000xi32, #tpu.memory_space<hbm>> -> memref<160xi32, #tpu.memory_space<hbm>>
    tpu.enqueue_dma source(%dma_start3A_41 : memref<160xi32, #tpu.memory_space<hbm>>) target(%arg8 : memref<160xi32, #tpu.memory_space<vmem>>) target_semaphore(%arg18 : memref<!tpu.dma_semaphore, #tpu.memory_space<semaphore_mem>>)
    %eq3A = arith.constant 0 : i32
    %eq3A_42 = arith.cmpi eq, %arg1, %eq3A : i32
    %convert_element_type3A = arith.extui %eq3A_42 : i1 to i32
    %cond3A = arith.constant 0 : i32
    %cond3A_43 = arith.cmpi ne, %convert_element_type3A, %cond3A : i32
    scf.if %cond3A_43 {
      "tpu.region"() ({
        %run_scoped3A = tpu.sem_alloc : memref<!tpu.dma_semaphore, #tpu.memory_space<semaphore_mem>>
        tpu.enqueue_dma source(%arg4 : memref<4x128xf32, #tpu.memory_space<hbm>>) target(%arg6 : memref<4x128xf32, #tpu.memory_space<vmem_shared>>) target_semaphore(%run_scoped3A : memref<!tpu.dma_semaphore, #tpu.memory_space<semaphore_mem>>)
        tpu.wait_dma2 semaphore(%run_scoped3A : memref<!tpu.dma_semaphore, #tpu.memory_space<semaphore_mem>>) src(%arg4 : memref<4x128xf32, #tpu.memory_space<hbm>>) dst(%arg6 : memref<4x128xf32, #tpu.memory_space<vmem_shared>>)
        tpu.yield
      }) : () -> ()
    } else {
    }
    %barrier3A = arith.constant 0 : index
    tpu.barrier barrier_id(%barrier3A)
    %scan3A = arith.constant 0 : i32
    %scan3A_44 = arith.constant 0 : i32
    %scan3A_45 = arith.constant 4 : i32
    %scan3A_46 = arith.addi %scan3A_44, %scan3A_45 : i32
    %scan3A_47 = arith.constant 1 : i32
    %scan3A_48 = scf.for %scan3A_89 = %scan3A_44 to %scan3A_46 step %scan3A_47 iter_args(%scan3A_90 = %scan3A) -> (i32)  : i32 {
      %mul3A_91 = arith.constant 5 : i32
      %mul3A_92 = arith.muli %scan3A_89, %mul3A_91 : i32
      %add3A_93 = arith.constant 0 : i32
      %add3A_94 = arith.addi %mul3A_92, %add3A_93 : i32
      %lt3A = arith.cmpi slt, %add3A_94, %select_n3A : i32
      %convert_element_type3A_95 = arith.extui %lt3A : i1 to i32
      %cond3A_96 = arith.constant 0 : i32
      %cond3A_97 = arith.cmpi ne, %convert_element_type3A_95, %cond3A_96 : i32
      scf.if %cond3A_97 {
        %add3A_131 = arith.constant 2 : i32
        %add3A_132 = arith.addi %add3A_94, %add3A_131 : i32
        %lt3A_133 = arith.cmpi slt, %add3A_132, %select_n3A : i32
        %convert_element_type3A_134 = arith.extui %lt3A_133 : i1 to i32
        %cond3A_135 = arith.constant 0 : i32
        %cond3A_136 = arith.cmpi ne, %convert_element_type3A_134, %cond3A_135 : i32
        scf.if %cond3A_136 {
          %ge3A = arith.constant 3 : i32
          %ge3A_157 = arith.cmpi sge, %add3A_94, %ge3A : i32
          %convert_element_type3A_158 = arith.extui %ge3A_157 : i1 to i32
          %cond3A_159 = arith.constant 0 : i32
          %cond3A_160 = arith.cmpi ne, %convert_element_type3A_158, %cond3A_159 : i32
          scf.if %cond3A_160 {
            %add3A_174 = arith.constant 2 : i32
            %add3A_175 = arith.addi %add3A_94, %add3A_174 : i32
            %sub3A_176 = arith.constant 5 : i32
            %sub3A_177 = arith.subi %add3A_175, %sub3A_176 : i32
            %mul3A_178 = arith.constant 32 : i32
            %mul3A_179 = arith.muli %sub3A_177, %mul3A_178 : i32
            %add3A_180 = arith.addi %add3A, %mul3A_179 : i32
            %mul3A_181 = arith.constant 160 : i32
            %mul3A_182 = arith.muli %add3A_180, %mul3A_181 : i32
            %dma_wait3A_183 = arith.constant 0 : i32
            %dma_wait3A_184 = tpu.memref_slice %arg5[%mul3A_182, %dma_wait3A_183] : memref<100000x128xf32, #tpu.memory_space<hbm>> -> memref<160x128xf32, #tpu.memory_space<hbm>>
            %dma_wait3A_185 = arith.constant 0 : i32
            %dma_wait3A_186 = tpu.memref_slice %arg5[%mul3A_182, %dma_wait3A_185] : memref<100000x128xf32, #tpu.memory_space<hbm>> -> memref<160x128xf32, #tpu.memory_space<hbm>>
            tpu.wait_dma2 semaphore(%arg24 : memref<!tpu.dma_semaphore, #tpu.memory_space<semaphore_mem>>) src(%arg14 : memref<160x128xf32, #tpu.memory_space<vmem>>) dst(%dma_wait3A_186 : memref<160x128xf32, #tpu.memory_space<hbm>>)
          } else {
          }
          %add3A_161 = arith.constant 2 : i32
          %add3A_162 = arith.addi %add3A_94, %add3A_161 : i32
          %mul3A_163 = arith.constant 32 : i32
          %mul3A_164 = arith.muli %add3A_162, %mul3A_163 : i32
          %add3A_165 = arith.addi %add3A, %mul3A_164 : i32
          %mul3A_166 = arith.constant 160 : i32
          %mul3A_167 = arith.muli %add3A_165, %mul3A_166 : i32
          %dma_start3A_168 = arith.constant 0 : i32
          %dma_start3A_169 = tpu.memref_slice %arg2[%mul3A_167, %dma_start3A_168] : memref<100000x128xf32, #tpu.memory_space<hbm>> -> memref<160x128xf32, #tpu.memory_space<hbm>>
          %dma_start3A_170 = arith.constant 0 : i32
          %dma_start3A_171 = tpu.memref_slice %arg2[%mul3A_167, %dma_start3A_170] : memref<100000x128xf32, #tpu.memory_space<hbm>> -> memref<160x128xf32, #tpu.memory_space<hbm>>
          tpu.enqueue_dma source(%dma_start3A_171 : memref<160x128xf32, #tpu.memory_space<hbm>>) target(%arg14 : memref<160x128xf32, #tpu.memory_space<vmem>>) target_semaphore(%arg19 : memref<!tpu.dma_semaphore, #tpu.memory_space<semaphore_mem>>)
          %dma_start3A_172 = tpu.memref_slice %arg3[%mul3A_167] : memref<100000xi32, #tpu.memory_space<hbm>> -> memref<160xi32, #tpu.memory_space<hbm>>
          %dma_start3A_173 = tpu.memref_slice %arg3[%mul3A_167] : memref<100000xi32, #tpu.memory_space<hbm>> -> memref<160xi32, #tpu.memory_space<hbm>>
          tpu.enqueue_dma source(%dma_start3A_173 : memref<160xi32, #tpu.memory_space<hbm>>) target(%arg9 : memref<160xi32, #tpu.memory_space<vmem>>) target_semaphore(%arg19 : memref<!tpu.dma_semaphore, #tpu.memory_space<semaphore_mem>>)
        } else {
        }
        %mul3A_137 = arith.constant 32 : i32
        %mul3A_138 = arith.muli %add3A_94, %mul3A_137 : i32
        %add3A_139 = arith.addi %add3A, %mul3A_138 : i32
        %mul3A_140 = arith.constant 160 : i32
        %mul3A_141 = arith.muli %add3A_139, %mul3A_140 : i32
        %dma_wait3A_142 = arith.constant 0 : i32
        %dma_wait3A_143 = tpu.memref_slice %arg2[%mul3A_141, %dma_wait3A_142] : memref<100000x128xf32, #tpu.memory_space<hbm>> -> memref<160x128xf32, #tpu.memory_space<hbm>>
        %dma_wait3A_144 = arith.constant 0 : i32
        %dma_wait3A_145 = tpu.memref_slice %arg2[%mul3A_141, %dma_wait3A_144] : memref<100000x128xf32, #tpu.memory_space<hbm>> -> memref<160x128xf32, #tpu.memory_space<hbm>>
        tpu.wait_dma2 semaphore(%arg17 : memref<!tpu.dma_semaphore, #tpu.memory_space<semaphore_mem>>) src(%dma_wait3A_145 : memref<160x128xf32, #tpu.memory_space<hbm>>) dst(%arg12 : memref<160x128xf32, #tpu.memory_space<vmem>>)
        %dma_wait3A_146 = tpu.memref_slice %arg3[%mul3A_141] : memref<100000xi32, #tpu.memory_space<hbm>> -> memref<160xi32, #tpu.memory_space<hbm>>
        %dma_wait3A_147 = tpu.memref_slice %arg3[%mul3A_141] : memref<100000xi32, #tpu.memory_space<hbm>> -> memref<160xi32, #tpu.memory_space<hbm>>
        tpu.wait_dma2 semaphore(%arg17 : memref<!tpu.dma_semaphore, #tpu.memory_space<semaphore_mem>>) src(%dma_wait3A_147 : memref<160xi32, #tpu.memory_space<hbm>>) dst(%arg7 : memref<160xi32, #tpu.memory_space<vmem>>)
        "tpu.region"() ({
          %run_scoped3A = tpu.sem_alloc : memref<!tpu.dma_semaphore, #tpu.memory_space<semaphore_mem>>
          %dma_start3A_157 = arith.constant 0 : i32
          %dma_start3A_158 = arith.constant 0 : i32
          %dma_start3A_159 = tpu.memref_slice %arg6[%dma_start3A_157, %dma_start3A_158] : memref<4x128xf32, #tpu.memory_space<vmem_shared>> -> memref<4x128xf32, #tpu.memory_space<vmem_shared>>
          tpu.enqueue_indirect_dma source(%dma_start3A_159 : memref<4x128xf32, #tpu.memory_space<vmem_shared>>) target(%arg12 : memref<160x128xf32, #tpu.memory_space<vmem>>) offsets(%arg7 : memref<160xi32, #tpu.memory_space<vmem>>) semaphore(%run_scoped3A : memref<!tpu.dma_semaphore, #tpu.memory_space<semaphore_mem>>) {add = true}
          %dma_wait3A_160 = arith.constant 0 : i32
          %dma_wait3A_161 = arith.constant 0 : i32
          %dma_wait3A_162 = tpu.memref_slice %arg6[%dma_wait3A_160, %dma_wait3A_161] : memref<4x128xf32, #tpu.memory_space<vmem_shared>> -> memref<4x128xf32, #tpu.memory_space<vmem_shared>>
          tpu.wait_indirect_dma semaphore(%run_scoped3A : memref<!tpu.dma_semaphore, #tpu.memory_space<semaphore_mem>>) src(%dma_wait3A_162 : memref<4x128xf32, #tpu.memory_space<vmem_shared>>) dst(%arg12 : memref<160x128xf32, #tpu.memory_space<vmem>>)
          tpu.yield
        }) : () -> ()
        %mul3A_148 = arith.constant 32 : i32
        %mul3A_149 = arith.muli %add3A_94, %mul3A_148 : i32
        %add3A_150 = arith.addi %add3A, %mul3A_149 : i32
        %mul3A_151 = arith.constant 160 : i32
        %mul3A_152 = arith.muli %add3A_150, %mul3A_151 : i32
        %dma_start3A_153 = arith.constant 0 : i32
        %dma_start3A_154 = tpu.memref_slice %arg5[%mul3A_152, %dma_start3A_153] : memref<100000x128xf32, #tpu.memory_space<hbm>> -> memref<160x128xf32, #tpu.memory_space<hbm>>
        %dma_start3A_155 = arith.constant 0 : i32
        %dma_start3A_156 = tpu.memref_slice %arg5[%mul3A_152, %dma_start3A_155] : memref<100000x128xf32, #tpu.memory_space<hbm>> -> memref<160x128xf32, #tpu.memory_space<hbm>>
        tpu.enqueue_dma source(%arg12 : memref<160x128xf32, #tpu.memory_space<vmem>>) target(%dma_start3A_156 : memref<160x128xf32, #tpu.memory_space<hbm>>) target_semaphore(%arg22 : memref<!tpu.dma_semaphore, #tpu.memory_space<semaphore_mem>>)
      } else {
      }
      %mul3A_98 = arith.constant 5 : i32
      %mul3A_99 = arith.muli %scan3A_89, %mul3A_98 : i32
      %add3A_100 = arith.constant 1 : i32
      %add3A_101 = arith.addi %mul3A_99, %add3A_100 : i32
      %lt3A_102 = arith.cmpi slt, %add3A_101, %select_n3A : i32
      %convert_element_type3A_103 = arith.extui %lt3A_102 : i1 to i32
      %cond3A_104 = arith.constant 0 : i32
      %cond3A_105 = arith.cmpi ne, %convert_element_type3A_103, %cond3A_104 : i32
      scf.if %cond3A_105 {
        %add3A_131 = arith.constant 2 : i32
        %add3A_132 = arith.addi %add3A_101, %add3A_131 : i32
        %lt3A_133 = arith.cmpi slt, %add3A_132, %select_n3A : i32
        %convert_element_type3A_134 = arith.extui %lt3A_133 : i1 to i32
        %cond3A_135 = arith.constant 0 : i32
        %cond3A_136 = arith.cmpi ne, %convert_element_type3A_134, %cond3A_135 : i32
        scf.if %cond3A_136 {
          %ge3A = arith.constant 3 : i32
          %ge3A_157 = arith.cmpi sge, %add3A_101, %ge3A : i32
          %convert_element_type3A_158 = arith.extui %ge3A_157 : i1 to i32
          %cond3A_159 = arith.constant 0 : i32
          %cond3A_160 = arith.cmpi ne, %convert_element_type3A_158, %cond3A_159 : i32
          scf.if %cond3A_160 {
            %add3A_174 = arith.constant 2 : i32
            %add3A_175 = arith.addi %add3A_101, %add3A_174 : i32
            %sub3A_176 = arith.constant 5 : i32
            %sub3A_177 = arith.subi %add3A_175, %sub3A_176 : i32
            %mul3A_178 = arith.constant 32 : i32
            %mul3A_179 = arith.muli %sub3A_177, %mul3A_178 : i32
            %add3A_180 = arith.addi %add3A, %mul3A_179 : i32
            %mul3A_181 = arith.constant 160 : i32
            %mul3A_182 = arith.muli %add3A_180, %mul3A_181 : i32
            %dma_wait3A_183 = arith.constant 0 : i32
            %dma_wait3A_184 = tpu.memref_slice %arg5[%mul3A_182, %dma_wait3A_183] : memref<100000x128xf32, #tpu.memory_space<hbm>> -> memref<160x128xf32, #tpu.memory_space<hbm>>
            %dma_wait3A_185 = arith.constant 0 : i32
            %dma_wait3A_186 = tpu.memref_slice %arg5[%mul3A_182, %dma_wait3A_185] : memref<100000x128xf32, #tpu.memory_space<hbm>> -> memref<160x128xf32, #tpu.memory_space<hbm>>
            tpu.wait_dma2 semaphore(%arg25 : memref<!tpu.dma_semaphore, #tpu.memory_space<semaphore_mem>>) src(%arg15 : memref<160x128xf32, #tpu.memory_space<vmem>>) dst(%dma_wait3A_186 : memref<160x128xf32, #tpu.memory_space<hbm>>)
          } else {
          }
          %add3A_161 = arith.constant 2 : i32
          %add3A_162 = arith.addi %add3A_101, %add3A_161 : i32
          %mul3A_163 = arith.constant 32 : i32
          %mul3A_164 = arith.muli %add3A_162, %mul3A_163 : i32
          %add3A_165 = arith.addi %add3A, %mul3A_164 : i32
          %mul3A_166 = arith.constant 160 : i32
          %mul3A_167 = arith.muli %add3A_165, %mul3A_166 : i32
          %dma_start3A_168 = arith.constant 0 : i32
          %dma_start3A_169 = tpu.memref_slice %arg2[%mul3A_167, %dma_start3A_168] : memref<100000x128xf32, #tpu.memory_space<hbm>> -> memref<160x128xf32, #tpu.memory_space<hbm>>
          %dma_start3A_170 = arith.constant 0 : i32
          %dma_start3A_171 = tpu.memref_slice %arg2[%mul3A_167, %dma_start3A_170] : memref<100000x128xf32, #tpu.memory_space<hbm>> -> memref<160x128xf32, #tpu.memory_space<hbm>>
          tpu.enqueue_dma source(%dma_start3A_171 : memref<160x128xf32, #tpu.memory_space<hbm>>) target(%arg15 : memref<160x128xf32, #tpu.memory_space<vmem>>) target_semaphore(%arg20 : memref<!tpu.dma_semaphore, #tpu.memory_space<semaphore_mem>>)
          %dma_start3A_172 = tpu.memref_slice %arg3[%mul3A_167] : memref<100000xi32, #tpu.memory_space<hbm>> -> memref<160xi32, #tpu.memory_space<hbm>>
          %dma_start3A_173 = tpu.memref_slice %arg3[%mul3A_167] : memref<100000xi32, #tpu.memory_space<hbm>> -> memref<160xi32, #tpu.memory_space<hbm>>
          tpu.enqueue_dma source(%dma_start3A_173 : memref<160xi32, #tpu.memory_space<hbm>>) target(%arg10 : memref<160xi32, #tpu.memory_space<vmem>>) target_semaphore(%arg20 : memref<!tpu.dma_semaphore, #tpu.memory_space<semaphore_mem>>)
        } else {
        }
        %mul3A_137 = arith.constant 32 : i32
        %mul3A_138 = arith.muli %add3A_101, %mul3A_137 : i32
        %add3A_139 = arith.addi %add3A, %mul3A_138 : i32
        %mul3A_140 = arith.constant 160 : i32
        %mul3A_141 = arith.muli %add3A_139, %mul3A_140 : i32
        %dma_wait3A_142 = arith.constant 0 : i32
        %dma_wait3A_143 = tpu.memref_slice %arg2[%mul3A_141, %dma_wait3A_142] : memref<100000x128xf32, #tpu.memory_space<hbm>> -> memref<160x128xf32, #tpu.memory_space<hbm>>
        %dma_wait3A_144 = arith.constant 0 : i32
        %dma_wait3A_145 = tpu.memref_slice %arg2[%mul3A_141, %dma_wait3A_144] : memref<100000x128xf32, #tpu.memory_space<hbm>> -> memref<160x128xf32, #tpu.memory_space<hbm>>
        tpu.wait_dma2 semaphore(%arg18 : memref<!tpu.dma_semaphore, #tpu.memory_space<semaphore_mem>>) src(%dma_wait3A_145 : memref<160x128xf32, #tpu.memory_space<hbm>>) dst(%arg13 : memref<160x128xf32, #tpu.memory_space<vmem>>)
        %dma_wait3A_146 = tpu.memref_slice %arg3[%mul3A_141] : memref<100000xi32, #tpu.memory_space<hbm>> -> memref<160xi32, #tpu.memory_space<hbm>>
        %dma_wait3A_147 = tpu.memref_slice %arg3[%mul3A_141] : memref<100000xi32, #tpu.memory_space<hbm>> -> memref<160xi32, #tpu.memory_space<hbm>>
        tpu.wait_dma2 semaphore(%arg18 : memref<!tpu.dma_semaphore, #tpu.memory_space<semaphore_mem>>) src(%dma_wait3A_147 : memref<160xi32, #tpu.memory_space<hbm>>) dst(%arg8 : memref<160xi32, #tpu.memory_space<vmem>>)
        "tpu.region"() ({
          %run_scoped3A = tpu.sem_alloc : memref<!tpu.dma_semaphore, #tpu.memory_space<semaphore_mem>>
          %dma_start3A_157 = arith.constant 0 : i32
          %dma_start3A_158 = arith.constant 0 : i32
          %dma_start3A_159 = tpu.memref_slice %arg6[%dma_start3A_157, %dma_start3A_158] : memref<4x128xf32, #tpu.memory_space<vmem_shared>> -> memref<4x128xf32, #tpu.memory_space<vmem_shared>>
          tpu.enqueue_indirect_dma source(%dma_start3A_159 : memref<4x128xf32, #tpu.memory_space<vmem_shared>>) target(%arg13 : memref<160x128xf32, #tpu.memory_space<vmem>>) offsets(%arg8 : memref<160xi32, #tpu.memory_space<vmem>>) semaphore(%run_scoped3A : memref<!tpu.dma_semaphore, #tpu.memory_space<semaphore_mem>>) {add = true}
          %dma_wait3A_160 = arith.constant 0 : i32
          %dma_wait3A_161 = arith.constant 0 : i32
          %dma_wait3A_162 = tpu.memref_slice %arg6[%dma_wait3A_160, %dma_wait3A_161] : memref<4x128xf32, #tpu.memory_space<vmem_shared>> -> memref<4x128xf32, #tpu.memory_space<vmem_shared>>
          tpu.wait_indirect_dma semaphore(%run_scoped3A : memref<!tpu.dma_semaphore, #tpu.memory_space<semaphore_mem>>) src(%dma_wait3A_162 : memref<4x128xf32, #tpu.memory_space<vmem_shared>>) dst(%arg13 : memref<160x128xf32, #tpu.memory_space<vmem>>)
          tpu.yield
        }) : () -> ()
        %mul3A_148 = arith.constant 32 : i32
        %mul3A_149 = arith.muli %add3A_101, %mul3A_148 : i32
        %add3A_150 = arith.addi %add3A, %mul3A_149 : i32
        %mul3A_151 = arith.constant 160 : i32
        %mul3A_152 = arith.muli %add3A_150, %mul3A_151 : i32
        %dma_start3A_153 = arith.constant 0 : i32
        %dma_start3A_154 = tpu.memref_slice %arg5[%mul3A_152, %dma_start3A_153] : memref<100000x128xf32, #tpu.memory_space<hbm>> -> memref<160x128xf32, #tpu.memory_space<hbm>>
        %dma_start3A_155 = arith.constant 0 : i32
        %dma_start3A_156 = tpu.memref_slice %arg5[%mul3A_152, %dma_start3A_155] : memref<100000x128xf32, #tpu.memory_space<hbm>> -> memref<160x128xf32, #tpu.memory_space<hbm>>
        tpu.enqueue_dma source(%arg13 : memref<160x128xf32, #tpu.memory_space<vmem>>) target(%dma_start3A_156 : memref<160x128xf32, #tpu.memory_space<hbm>>) target_semaphore(%arg23 : memref<!tpu.dma_semaphore, #tpu.memory_space<semaphore_mem>>)
      } else {
      }
      %mul3A_106 = arith.constant 5 : i32
      %mul3A_107 = arith.muli %scan3A_89, %mul3A_106 : i32
      %add3A_108 = arith.constant 2 : i32
      %add3A_109 = arith.addi %mul3A_107, %add3A_108 : i32
      %lt3A_110 = arith.cmpi slt, %add3A_109, %select_n3A : i32
      %convert_element_type3A_111 = arith.extui %lt3A_110 : i1 to i32
      %cond3A_112 = arith.constant 0 : i32
      %cond3A_113 = arith.cmpi ne, %convert_element_type3A_111, %cond3A_112 : i32
      scf.if %cond3A_113 {
        %add3A_131 = arith.constant 2 : i32
        %add3A_132 = arith.addi %add3A_109, %add3A_131 : i32
        %lt3A_133 = arith.cmpi slt, %add3A_132, %select_n3A : i32
        %convert_element_type3A_134 = arith.extui %lt3A_133 : i1 to i32
        %cond3A_135 = arith.constant 0 : i32
        %cond3A_136 = arith.cmpi ne, %convert_element_type3A_134, %cond3A_135 : i32
        scf.if %cond3A_136 {
          %ge3A = arith.constant 3 : i32
          %ge3A_157 = arith.cmpi sge, %add3A_109, %ge3A : i32
          %convert_element_type3A_158 = arith.extui %ge3A_157 : i1 to i32
          %cond3A_159 = arith.constant 0 : i32
          %cond3A_160 = arith.cmpi ne, %convert_element_type3A_158, %cond3A_159 : i32
          scf.if %cond3A_160 {
            %add3A_174 = arith.constant 2 : i32
            %add3A_175 = arith.addi %add3A_109, %add3A_174 : i32
            %sub3A_176 = arith.constant 5 : i32
            %sub3A_177 = arith.subi %add3A_175, %sub3A_176 : i32
            %mul3A_178 = arith.constant 32 : i32
            %mul3A_179 = arith.muli %sub3A_177, %mul3A_178 : i32
            %add3A_180 = arith.addi %add3A, %mul3A_179 : i32
            %mul3A_181 = arith.constant 160 : i32
            %mul3A_182 = arith.muli %add3A_180, %mul3A_181 : i32
            %dma_wait3A_183 = arith.constant 0 : i32
            %dma_wait3A_184 = tpu.memref_slice %arg5[%mul3A_182, %dma_wait3A_183] : memref<100000x128xf32, #tpu.memory_space<hbm>> -> memref<160x128xf32, #tpu.memory_space<hbm>>
            %dma_wait3A_185 = arith.constant 0 : i32
            %dma_wait3A_186 = tpu.memref_slice %arg5[%mul3A_182, %dma_wait3A_185] : memref<100000x128xf32, #tpu.memory_space<hbm>> -> memref<160x128xf32, #tpu.memory_space<hbm>>
            tpu.wait_dma2 semaphore(%arg26 : memref<!tpu.dma_semaphore, #tpu.memory_space<semaphore_mem>>) src(%arg16 : memref<160x128xf32, #tpu.memory_space<vmem>>) dst(%dma_wait3A_186 : memref<160x128xf32, #tpu.memory_space<hbm>>)
          } else {
          }
          %add3A_161 = arith.constant 2 : i32
          %add3A_162 = arith.addi %add3A_109, %add3A_161 : i32
          %mul3A_163 = arith.constant 32 : i32
          %mul3A_164 = arith.muli %add3A_162, %mul3A_163 : i32
          %add3A_165 = arith.addi %add3A, %mul3A_164 : i32
          %mul3A_166 = arith.constant 160 : i32
          %mul3A_167 = arith.muli %add3A_165, %mul3A_166 : i32
          %dma_start3A_168 = arith.constant 0 : i32
          %dma_start3A_169 = tpu.memref_slice %arg2[%mul3A_167, %dma_start3A_168] : memref<100000x128xf32, #tpu.memory_space<hbm>> -> memref<160x128xf32, #tpu.memory_space<hbm>>
          %dma_start3A_170 = arith.constant 0 : i32
          %dma_start3A_171 = tpu.memref_slice %arg2[%mul3A_167, %dma_start3A_170] : memref<100000x128xf32, #tpu.memory_space<hbm>> -> memref<160x128xf32, #tpu.memory_space<hbm>>
          tpu.enqueue_dma source(%dma_start3A_171 : memref<160x128xf32, #tpu.memory_space<hbm>>) target(%arg16 : memref<160x128xf32, #tpu.memory_space<vmem>>) target_semaphore(%arg21 : memref<!tpu.dma_semaphore, #tpu.memory_space<semaphore_mem>>)
          %dma_start3A_172 = tpu.memref_slice %arg3[%mul3A_167] : memref<100000xi32, #tpu.memory_space<hbm>> -> memref<160xi32, #tpu.memory_space<hbm>>
          %dma_start3A_173 = tpu.memref_slice %arg3[%mul3A_167] : memref<100000xi32, #tpu.memory_space<hbm>> -> memref<160xi32, #tpu.memory_space<hbm>>
          tpu.enqueue_dma source(%dma_start3A_173 : memref<160xi32, #tpu.memory_space<hbm>>) target(%arg11 : memref<160xi32, #tpu.memory_space<vmem>>) target_semaphore(%arg21 : memref<!tpu.dma_semaphore, #tpu.memory_space<semaphore_mem>>)
        } else {
        }
        %mul3A_137 = arith.constant 32 : i32
        %mul3A_138 = arith.muli %add3A_109, %mul3A_137 : i32
        %add3A_139 = arith.addi %add3A, %mul3A_138 : i32
        %mul3A_140 = arith.constant 160 : i32
        %mul3A_141 = arith.muli %add3A_139, %mul3A_140 : i32
        %dma_wait3A_142 = arith.constant 0 : i32
        %dma_wait3A_143 = tpu.memref_slice %arg2[%mul3A_141, %dma_wait3A_142] : memref<100000x128xf32, #tpu.memory_space<hbm>> -> memref<160x128xf32, #tpu.memory_space<hbm>>
        %dma_wait3A_144 = arith.constant 0 : i32
        %dma_wait3A_145 = tpu.memref_slice %arg2[%mul3A_141, %dma_wait3A_144] : memref<100000x128xf32, #tpu.memory_space<hbm>> -> memref<160x128xf32, #tpu.memory_space<hbm>>
        tpu.wait_dma2 semaphore(%arg19 : memref<!tpu.dma_semaphore, #tpu.memory_space<semaphore_mem>>) src(%dma_wait3A_145 : memref<160x128xf32, #tpu.memory_space<hbm>>) dst(%arg14 : memref<160x128xf32, #tpu.memory_space<vmem>>)
        %dma_wait3A_146 = tpu.memref_slice %arg3[%mul3A_141] : memref<100000xi32, #tpu.memory_space<hbm>> -> memref<160xi32, #tpu.memory_space<hbm>>
        %dma_wait3A_147 = tpu.memref_slice %arg3[%mul3A_141] : memref<100000xi32, #tpu.memory_space<hbm>> -> memref<160xi32, #tpu.memory_space<hbm>>
        tpu.wait_dma2 semaphore(%arg19 : memref<!tpu.dma_semaphore, #tpu.memory_space<semaphore_mem>>) src(%dma_wait3A_147 : memref<160xi32, #tpu.memory_space<hbm>>) dst(%arg9 : memref<160xi32, #tpu.memory_space<vmem>>)
        "tpu.region"() ({
          %run_scoped3A = tpu.sem_alloc : memref<!tpu.dma_semaphore, #tpu.memory_space<semaphore_mem>>
          %dma_start3A_157 = arith.constant 0 : i32
          %dma_start3A_158 = arith.constant 0 : i32
          %dma_start3A_159 = tpu.memref_slice %arg6[%dma_start3A_157, %dma_start3A_158] : memref<4x128xf32, #tpu.memory_space<vmem_shared>> -> memref<4x128xf32, #tpu.memory_space<vmem_shared>>
          tpu.enqueue_indirect_dma source(%dma_start3A_159 : memref<4x128xf32, #tpu.memory_space<vmem_shared>>) target(%arg14 : memref<160x128xf32, #tpu.memory_space<vmem>>) offsets(%arg9 : memref<160xi32, #tpu.memory_space<vmem>>) semaphore(%run_scoped3A : memref<!tpu.dma_semaphore, #tpu.memory_space<semaphore_mem>>) {add = true}
          %dma_wait3A_160 = arith.constant 0 : i32
          %dma_wait3A_161 = arith.constant 0 : i32
          %dma_wait3A_162 = tpu.memref_slice %arg6[%dma_wait3A_160, %dma_wait3A_161] : memref<4x128xf32, #tpu.memory_space<vmem_shared>> -> memref<4x128xf32, #tpu.memory_space<vmem_shared>>
          tpu.wait_indirect_dma semaphore(%run_scoped3A : memref<!tpu.dma_semaphore, #tpu.memory_space<semaphore_mem>>) src(%dma_wait3A_162 : memref<4x128xf32, #tpu.memory_space<vmem_shared>>) dst(%arg14 : memref<160x128xf32, #tpu.memory_space<vmem>>)
          tpu.yield
        }) : () -> ()
        %mul3A_148 = arith.constant 32 : i32
        %mul3A_149 = arith.muli %add3A_109, %mul3A_148 : i32
        %add3A_150 = arith.addi %add3A, %mul3A_149 : i32
        %mul3A_151 = arith.constant 160 : i32
        %mul3A_152 = arith.muli %add3A_150, %mul3A_151 : i32
        %dma_start3A_153 = arith.constant 0 : i32
        %dma_start3A_154 = tpu.memref_slice %arg5[%mul3A_152, %dma_start3A_153] : memref<100000x128xf32, #tpu.memory_space<hbm>> -> memref<160x128xf32, #tpu.memory_space<hbm>>
        %dma_start3A_155 = arith.constant 0 : i32
        %dma_start3A_156 = tpu.memref_slice %arg5[%mul3A_152, %dma_start3A_155] : memref<100000x128xf32, #tpu.memory_space<hbm>> -> memref<160x128xf32, #tpu.memory_space<hbm>>
        tpu.enqueue_dma source(%arg14 : memref<160x128xf32, #tpu.memory_space<vmem>>) target(%dma_start3A_156 : memref<160x128xf32, #tpu.memory_space<hbm>>) target_semaphore(%arg24 : memref<!tpu.dma_semaphore, #tpu.memory_space<semaphore_mem>>)
      } else {
      }
      %mul3A_114 = arith.constant 5 : i32
      %mul3A_115 = arith.muli %scan3A_89, %mul3A_114 : i32
      %add3A_116 = arith.constant 3 : i32
      %add3A_117 = arith.addi %mul3A_115, %add3A_116 : i32
      %lt3A_118 = arith.cmpi slt, %add3A_117, %select_n3A : i32
      %convert_element_type3A_119 = arith.extui %lt3A_118 : i1 to i32
      %cond3A_120 = arith.constant 0 : i32
      %cond3A_121 = arith.cmpi ne, %convert_element_type3A_119, %cond3A_120 : i32
      scf.if %cond3A_121 {
        %add3A_131 = arith.constant 2 : i32
        %add3A_132 = arith.addi %add3A_117, %add3A_131 : i32
        %lt3A_133 = arith.cmpi slt, %add3A_132, %select_n3A : i32
        %convert_element_type3A_134 = arith.extui %lt3A_133 : i1 to i32
        %cond3A_135 = arith.constant 0 : i32
        %cond3A_136 = arith.cmpi ne, %convert_element_type3A_134, %cond3A_135 : i32
        scf.if %cond3A_136 {
          %ge3A = arith.constant 3 : i32
          %ge3A_157 = arith.cmpi sge, %add3A_117, %ge3A : i32
          %convert_element_type3A_158 = arith.extui %ge3A_157 : i1 to i32
          %cond3A_159 = arith.constant 0 : i32
          %cond3A_160 = arith.cmpi ne, %convert_element_type3A_158, %cond3A_159 : i32
          scf.if %cond3A_160 {
            %add3A_174 = arith.constant 2 : i32
            %add3A_175 = arith.addi %add3A_117, %add3A_174 : i32
            %sub3A_176 = arith.constant 5 : i32
            %sub3A_177 = arith.subi %add3A_175, %sub3A_176 : i32
            %mul3A_178 = arith.constant 32 : i32
            %mul3A_179 = arith.muli %sub3A_177, %mul3A_178 : i32
            %add3A_180 = arith.addi %add3A, %mul3A_179 : i32
            %mul3A_181 = arith.constant 160 : i32
            %mul3A_182 = arith.muli %add3A_180, %mul3A_181 : i32
            %dma_wait3A_183 = arith.constant 0 : i32
            %dma_wait3A_184 = tpu.memref_slice %arg5[%mul3A_182, %dma_wait3A_183] : memref<100000x128xf32, #tpu.memory_space<hbm>> -> memref<160x128xf32, #tpu.memory_space<hbm>>
            %dma_wait3A_185 = arith.constant 0 : i32
            %dma_wait3A_186 = tpu.memref_slice %arg5[%mul3A_182, %dma_wait3A_185] : memref<100000x128xf32, #tpu.memory_space<hbm>> -> memref<160x128xf32, #tpu.memory_space<hbm>>
            tpu.wait_dma2 semaphore(%arg22 : memref<!tpu.dma_semaphore, #tpu.memory_space<semaphore_mem>>) src(%arg12 : memref<160x128xf32, #tpu.memory_space<vmem>>) dst(%dma_wait3A_186 : memref<160x128xf32, #tpu.memory_space<hbm>>)
          } else {
          }
          %add3A_161 = arith.constant 2 : i32
          %add3A_162 = arith.addi %add3A_117, %add3A_161 : i32
          %mul3A_163 = arith.constant 32 : i32
          %mul3A_164 = arith.muli %add3A_162, %mul3A_163 : i32
          %add3A_165 = arith.addi %add3A, %mul3A_164 : i32
          %mul3A_166 = arith.constant 160 : i32
          %mul3A_167 = arith.muli %add3A_165, %mul3A_166 : i32
          %dma_start3A_168 = arith.constant 0 : i32
          %dma_start3A_169 = tpu.memref_slice %arg2[%mul3A_167, %dma_start3A_168] : memref<100000x128xf32, #tpu.memory_space<hbm>> -> memref<160x128xf32, #tpu.memory_space<hbm>>
          %dma_start3A_170 = arith.constant 0 : i32
          %dma_start3A_171 = tpu.memref_slice %arg2[%mul3A_167, %dma_start3A_170] : memref<100000x128xf32, #tpu.memory_space<hbm>> -> memref<160x128xf32, #tpu.memory_space<hbm>>
          tpu.enqueue_dma source(%dma_start3A_171 : memref<160x128xf32, #tpu.memory_space<hbm>>) target(%arg12 : memref<160x128xf32, #tpu.memory_space<vmem>>) target_semaphore(%arg17 : memref<!tpu.dma_semaphore, #tpu.memory_space<semaphore_mem>>)
          %dma_start3A_172 = tpu.memref_slice %arg3[%mul3A_167] : memref<100000xi32, #tpu.memory_space<hbm>> -> memref<160xi32, #tpu.memory_space<hbm>>
          %dma_start3A_173 = tpu.memref_slice %arg3[%mul3A_167] : memref<100000xi32, #tpu.memory_space<hbm>> -> memref<160xi32, #tpu.memory_space<hbm>>
          tpu.enqueue_dma source(%dma_start3A_173 : memref<160xi32, #tpu.memory_space<hbm>>) target(%arg7 : memref<160xi32, #tpu.memory_space<vmem>>) target_semaphore(%arg17 : memref<!tpu.dma_semaphore, #tpu.memory_space<semaphore_mem>>)
        } else {
        }
        %mul3A_137 = arith.constant 32 : i32
        %mul3A_138 = arith.muli %add3A_117, %mul3A_137 : i32
        %add3A_139 = arith.addi %add3A, %mul3A_138 : i32
        %mul3A_140 = arith.constant 160 : i32
        %mul3A_141 = arith.muli %add3A_139, %mul3A_140 : i32
        %dma_wait3A_142 = arith.constant 0 : i32
        %dma_wait3A_143 = tpu.memref_slice %arg2[%mul3A_141, %dma_wait3A_142] : memref<100000x128xf32, #tpu.memory_space<hbm>> -> memref<160x128xf32, #tpu.memory_space<hbm>>
        %dma_wait3A_144 = arith.constant 0 : i32
        %dma_wait3A_145 = tpu.memref_slice %arg2[%mul3A_141, %dma_wait3A_144] : memref<100000x128xf32, #tpu.memory_space<hbm>> -> memref<160x128xf32, #tpu.memory_space<hbm>>
        tpu.wait_dma2 semaphore(%arg20 : memref<!tpu.dma_semaphore, #tpu.memory_space<semaphore_mem>>) src(%dma_wait3A_145 : memref<160x128xf32, #tpu.memory_space<hbm>>) dst(%arg15 : memref<160x128xf32, #tpu.memory_space<vmem>>)
        %dma_wait3A_146 = tpu.memref_slice %arg3[%mul3A_141] : memref<100000xi32, #tpu.memory_space<hbm>> -> memref<160xi32, #tpu.memory_space<hbm>>
        %dma_wait3A_147 = tpu.memref_slice %arg3[%mul3A_141] : memref<100000xi32, #tpu.memory_space<hbm>> -> memref<160xi32, #tpu.memory_space<hbm>>
        tpu.wait_dma2 semaphore(%arg20 : memref<!tpu.dma_semaphore, #tpu.memory_space<semaphore_mem>>) src(%dma_wait3A_147 : memref<160xi32, #tpu.memory_space<hbm>>) dst(%arg10 : memref<160xi32, #tpu.memory_space<vmem>>)
        "tpu.region"() ({
          %run_scoped3A = tpu.sem_alloc : memref<!tpu.dma_semaphore, #tpu.memory_space<semaphore_mem>>
          %dma_start3A_157 = arith.constant 0 : i32
          %dma_start3A_158 = arith.constant 0 : i32
          %dma_start3A_159 = tpu.memref_slice %arg6[%dma_start3A_157, %dma_start3A_158] : memref<4x128xf32, #tpu.memory_space<vmem_shared>> -> memref<4x128xf32, #tpu.memory_space<vmem_shared>>
          tpu.enqueue_indirect_dma source(%dma_start3A_159 : memref<4x128xf32, #tpu.memory_space<vmem_shared>>) target(%arg15 : memref<160x128xf32, #tpu.memory_space<vmem>>) offsets(%arg10 : memref<160xi32, #tpu.memory_space<vmem>>) semaphore(%run_scoped3A : memref<!tpu.dma_semaphore, #tpu.memory_space<semaphore_mem>>) {add = true}
          %dma_wait3A_160 = arith.constant 0 : i32
          %dma_wait3A_161 = arith.constant 0 : i32
          %dma_wait3A_162 = tpu.memref_slice %arg6[%dma_wait3A_160, %dma_wait3A_161] : memref<4x128xf32, #tpu.memory_space<vmem_shared>> -> memref<4x128xf32, #tpu.memory_space<vmem_shared>>
          tpu.wait_indirect_dma semaphore(%run_scoped3A : memref<!tpu.dma_semaphore, #tpu.memory_space<semaphore_mem>>) src(%dma_wait3A_162 : memref<4x128xf32, #tpu.memory_space<vmem_shared>>) dst(%arg15 : memref<160x128xf32, #tpu.memory_space<vmem>>)
          tpu.yield
        }) : () -> ()
        %mul3A_148 = arith.constant 32 : i32
        %mul3A_149 = arith.muli %add3A_117, %mul3A_148 : i32
        %add3A_150 = arith.addi %add3A, %mul3A_149 : i32
        %mul3A_151 = arith.constant 160 : i32
        %mul3A_152 = arith.muli %add3A_150, %mul3A_151 : i32
        %dma_start3A_153 = arith.constant 0 : i32
        %dma_start3A_154 = tpu.memref_slice %arg5[%mul3A_152, %dma_start3A_153] : memref<100000x128xf32, #tpu.memory_space<hbm>> -> memref<160x128xf32, #tpu.memory_space<hbm>>
        %dma_start3A_155 = arith.constant 0 : i32
        %dma_start3A_156 = tpu.memref_slice %arg5[%mul3A_152, %dma_start3A_155] : memref<100000x128xf32, #tpu.memory_space<hbm>> -> memref<160x128xf32, #tpu.memory_space<hbm>>
        tpu.enqueue_dma source(%arg15 : memref<160x128xf32, #tpu.memory_space<vmem>>) target(%dma_start3A_156 : memref<160x128xf32, #tpu.memory_space<hbm>>) target_semaphore(%arg25 : memref<!tpu.dma_semaphore, #tpu.memory_space<semaphore_mem>>)
      } else {
      }
      %mul3A_122 = arith.constant 5 : i32
      %mul3A_123 = arith.muli %scan3A_89, %mul3A_122 : i32
      %add3A_124 = arith.constant 4 : i32
      %add3A_125 = arith.addi %mul3A_123, %add3A_124 : i32
      %lt3A_126 = arith.cmpi slt, %add3A_125, %select_n3A : i32
      %convert_element_type3A_127 = arith.extui %lt3A_126 : i1 to i32
      %cond3A_128 = arith.constant 0 : i32
      %cond3A_129 = arith.cmpi ne, %convert_element_type3A_127, %cond3A_128 : i32
      scf.if %cond3A_129 {
        %add3A_131 = arith.constant 2 : i32
        %add3A_132 = arith.addi %add3A_125, %add3A_131 : i32
        %lt3A_133 = arith.cmpi slt, %add3A_132, %select_n3A : i32
        %convert_element_type3A_134 = arith.extui %lt3A_133 : i1 to i32
        %cond3A_135 = arith.constant 0 : i32
        %cond3A_136 = arith.cmpi ne, %convert_element_type3A_134, %cond3A_135 : i32
        scf.if %cond3A_136 {
          %ge3A = arith.constant 3 : i32
          %ge3A_157 = arith.cmpi sge, %add3A_125, %ge3A : i32
          %convert_element_type3A_158 = arith.extui %ge3A_157 : i1 to i32
          %cond3A_159 = arith.constant 0 : i32
          %cond3A_160 = arith.cmpi ne, %convert_element_type3A_158, %cond3A_159 : i32
          scf.if %cond3A_160 {
            %add3A_174 = arith.constant 2 : i32
            %add3A_175 = arith.addi %add3A_125, %add3A_174 : i32
            %sub3A_176 = arith.constant 5 : i32
            %sub3A_177 = arith.subi %add3A_175, %sub3A_176 : i32
            %mul3A_178 = arith.constant 32 : i32
            %mul3A_179 = arith.muli %sub3A_177, %mul3A_178 : i32
            %add3A_180 = arith.addi %add3A, %mul3A_179 : i32
            %mul3A_181 = arith.constant 160 : i32
            %mul3A_182 = arith.muli %add3A_180, %mul3A_181 : i32
            %dma_wait3A_183 = arith.constant 0 : i32
            %dma_wait3A_184 = tpu.memref_slice %arg5[%mul3A_182, %dma_wait3A_183] : memref<100000x128xf32, #tpu.memory_space<hbm>> -> memref<160x128xf32, #tpu.memory_space<hbm>>
            %dma_wait3A_185 = arith.constant 0 : i32
            %dma_wait3A_186 = tpu.memref_slice %arg5[%mul3A_182, %dma_wait3A_185] : memref<100000x128xf32, #tpu.memory_space<hbm>> -> memref<160x128xf32, #tpu.memory_space<hbm>>
            tpu.wait_dma2 semaphore(%arg23 : memref<!tpu.dma_semaphore, #tpu.memory_space<semaphore_mem>>) src(%arg13 : memref<160x128xf32, #tpu.memory_space<vmem>>) dst(%dma_wait3A_186 : memref<160x128xf32, #tpu.memory_space<hbm>>)
          } else {
          }
          %add3A_161 = arith.constant 2 : i32
          %add3A_162 = arith.addi %add3A_125, %add3A_161 : i32
          %mul3A_163 = arith.constant 32 : i32
          %mul3A_164 = arith.muli %add3A_162, %mul3A_163 : i32
          %add3A_165 = arith.addi %add3A, %mul3A_164 : i32
          %mul3A_166 = arith.constant 160 : i32
          %mul3A_167 = arith.muli %add3A_165, %mul3A_166 : i32
          %dma_start3A_168 = arith.constant 0 : i32
          %dma_start3A_169 = tpu.memref_slice %arg2[%mul3A_167, %dma_start3A_168] : memref<100000x128xf32, #tpu.memory_space<hbm>> -> memref<160x128xf32, #tpu.memory_space<hbm>>
          %dma_start3A_170 = arith.constant 0 : i32
          %dma_start3A_171 = tpu.memref_slice %arg2[%mul3A_167, %dma_start3A_170] : memref<100000x128xf32, #tpu.memory_space<hbm>> -> memref<160x128xf32, #tpu.memory_space<hbm>>
          tpu.enqueue_dma source(%dma_start3A_171 : memref<160x128xf32, #tpu.memory_space<hbm>>) target(%arg13 : memref<160x128xf32, #tpu.memory_space<vmem>>) target_semaphore(%arg18 : memref<!tpu.dma_semaphore, #tpu.memory_space<semaphore_mem>>)
          %dma_start3A_172 = tpu.memref_slice %arg3[%mul3A_167] : memref<100000xi32, #tpu.memory_space<hbm>> -> memref<160xi32, #tpu.memory_space<hbm>>
          %dma_start3A_173 = tpu.memref_slice %arg3[%mul3A_167] : memref<100000xi32, #tpu.memory_space<hbm>> -> memref<160xi32, #tpu.memory_space<hbm>>
          tpu.enqueue_dma source(%dma_start3A_173 : memref<160xi32, #tpu.memory_space<hbm>>) target(%arg8 : memref<160xi32, #tpu.memory_space<vmem>>) target_semaphore(%arg18 : memref<!tpu.dma_semaphore, #tpu.memory_space<semaphore_mem>>)
        } else {
        }
        %mul3A_137 = arith.constant 32 : i32
        %mul3A_138 = arith.muli %add3A_125, %mul3A_137 : i32
        %add3A_139 = arith.addi %add3A, %mul3A_138 : i32
        %mul3A_140 = arith.constant 160 : i32
        %mul3A_141 = arith.muli %add3A_139, %mul3A_140 : i32
        %dma_wait3A_142 = arith.constant 0 : i32
        %dma_wait3A_143 = tpu.memref_slice %arg2[%mul3A_141, %dma_wait3A_142] : memref<100000x128xf32, #tpu.memory_space<hbm>> -> memref<160x128xf32, #tpu.memory_space<hbm>>
        %dma_wait3A_144 = arith.constant 0 : i32
        %dma_wait3A_145 = tpu.memref_slice %arg2[%mul3A_141, %dma_wait3A_144] : memref<100000x128xf32, #tpu.memory_space<hbm>> -> memref<160x128xf32, #tpu.memory_space<hbm>>
        tpu.wait_dma2 semaphore(%arg21 : memref<!tpu.dma_semaphore, #tpu.memory_space<semaphore_mem>>) src(%dma_wait3A_145 : memref<160x128xf32, #tpu.memory_space<hbm>>) dst(%arg16 : memref<160x128xf32, #tpu.memory_space<vmem>>)
        %dma_wait3A_146 = tpu.memref_slice %arg3[%mul3A_141] : memref<100000xi32, #tpu.memory_space<hbm>> -> memref<160xi32, #tpu.memory_space<hbm>>
        %dma_wait3A_147 = tpu.memref_slice %arg3[%mul3A_141] : memref<100000xi32, #tpu.memory_space<hbm>> -> memref<160xi32, #tpu.memory_space<hbm>>
        tpu.wait_dma2 semaphore(%arg21 : memref<!tpu.dma_semaphore, #tpu.memory_space<semaphore_mem>>) src(%dma_wait3A_147 : memref<160xi32, #tpu.memory_space<hbm>>) dst(%arg11 : memref<160xi32, #tpu.memory_space<vmem>>)
        "tpu.region"() ({
          %run_scoped3A = tpu.sem_alloc : memref<!tpu.dma_semaphore, #tpu.memory_space<semaphore_mem>>
          %dma_start3A_157 = arith.constant 0 : i32
          %dma_start3A_158 = arith.constant 0 : i32
          %dma_start3A_159 = tpu.memref_slice %arg6[%dma_start3A_157, %dma_start3A_158] : memref<4x128xf32, #tpu.memory_space<vmem_shared>> -> memref<4x128xf32, #tpu.memory_space<vmem_shared>>
          tpu.enqueue_indirect_dma source(%dma_start3A_159 : memref<4x128xf32, #tpu.memory_space<vmem_shared>>) target(%arg16 : memref<160x128xf32, #tpu.memory_space<vmem>>) offsets(%arg11 : memref<160xi32, #tpu.memory_space<vmem>>) semaphore(%run_scoped3A : memref<!tpu.dma_semaphore, #tpu.memory_space<semaphore_mem>>) {add = true}
          %dma_wait3A_160 = arith.constant 0 : i32
          %dma_wait3A_161 = arith.constant 0 : i32
          %dma_wait3A_162 = tpu.memref_slice %arg6[%dma_wait3A_160, %dma_wait3A_161] : memref<4x128xf32, #tpu.memory_space<vmem_shared>> -> memref<4x128xf32, #tpu.memory_space<vmem_shared>>
          tpu.wait_indirect_dma semaphore(%run_scoped3A : memref<!tpu.dma_semaphore, #tpu.memory_space<semaphore_mem>>) src(%dma_wait3A_162 : memref<4x128xf32, #tpu.memory_space<vmem_shared>>) dst(%arg16 : memref<160x128xf32, #tpu.memory_space<vmem>>)
          tpu.yield
        }) : () -> ()
        %mul3A_148 = arith.constant 32 : i32
        %mul3A_149 = arith.muli %add3A_125, %mul3A_148 : i32
        %add3A_150 = arith.addi %add3A, %mul3A_149 : i32
        %mul3A_151 = arith.constant 160 : i32
        %mul3A_152 = arith.muli %add3A_150, %mul3A_151 : i32
        %dma_start3A_153 = arith.constant 0 : i32
        %dma_start3A_154 = tpu.memref_slice %arg5[%mul3A_152, %dma_start3A_153] : memref<100000x128xf32, #tpu.memory_space<hbm>> -> memref<160x128xf32, #tpu.memory_space<hbm>>
        %dma_start3A_155 = arith.constant 0 : i32
        %dma_start3A_156 = tpu.memref_slice %arg5[%mul3A_152, %dma_start3A_155] : memref<100000x128xf32, #tpu.memory_space<hbm>> -> memref<160x128xf32, #tpu.memory_space<hbm>>
        tpu.enqueue_dma source(%arg16 : memref<160x128xf32, #tpu.memory_space<vmem>>) target(%dma_start3A_156 : memref<160x128xf32, #tpu.memory_space<hbm>>) target_semaphore(%arg26 : memref<!tpu.dma_semaphore, #tpu.memory_space<semaphore_mem>>)
      } else {
      }
      %scan3A_130 = arith.constant 0 : i32
      scf.yield %scan3A_130 : i32
    }
    %scan3A_49 = arith.constant 4 : i32
    %add3A_50 = arith.constant 0 : i32
    %add3A_51 = arith.addi %add3A, %add3A_50 : i32
    %mul3A_52 = arith.constant 160 : i32
    %mul3A_53 = arith.muli %add3A_51, %mul3A_52 : i32
    %dma_wait3A = arith.constant 0 : i32
    %dma_wait3A_54 = tpu.memref_slice %arg5[%mul3A_53, %dma_wait3A] : memref<100000x128xf32, #tpu.memory_space<hbm>> -> memref<160x128xf32, #tpu.memory_space<hbm>>
    %dma_wait3A_55 = arith.constant 0 : i32
    %dma_wait3A_56 = tpu.memref_slice %arg5[%mul3A_53, %dma_wait3A_55] : memref<100000x128xf32, #tpu.memory_space<hbm>> -> memref<160x128xf32, #tpu.memory_space<hbm>>
    tpu.wait_dma2 semaphore(%arg22 : memref<!tpu.dma_semaphore, #tpu.memory_space<semaphore_mem>>) src(%arg12 : memref<160x128xf32, #tpu.memory_space<vmem>>) dst(%dma_wait3A_56 : memref<160x128xf32, #tpu.memory_space<hbm>>)
    %add3A_57 = arith.constant 0 : i32
    %add3A_58 = arith.addi %add3A, %add3A_57 : i32
    %mul3A_59 = arith.constant 160 : i32
    %mul3A_60 = arith.muli %add3A_58, %mul3A_59 : i32
    %dma_wait3A_61 = arith.constant 0 : i32
    %dma_wait3A_62 = tpu.memref_slice %arg5[%mul3A_60, %dma_wait3A_61] : memref<100000x128xf32, #tpu.memory_space<hbm>> -> memref<160x128xf32, #tpu.memory_space<hbm>>
    %dma_wait3A_63 = arith.constant 0 : i32
    %dma_wait3A_64 = tpu.memref_slice %arg5[%mul3A_60, %dma_wait3A_63] : memref<100000x128xf32, #tpu.memory_space<hbm>> -> memref<160x128xf32, #tpu.memory_space<hbm>>
    tpu.wait_dma2 semaphore(%arg23 : memref<!tpu.dma_semaphore, #tpu.memory_space<semaphore_mem>>) src(%arg13 : memref<160x128xf32, #tpu.memory_space<vmem>>) dst(%dma_wait3A_64 : memref<160x128xf32, #tpu.memory_space<hbm>>)
    %add3A_65 = arith.constant 0 : i32
    %add3A_66 = arith.addi %add3A, %add3A_65 : i32
    %mul3A_67 = arith.constant 160 : i32
    %mul3A_68 = arith.muli %add3A_66, %mul3A_67 : i32
    %dma_wait3A_69 = arith.constant 0 : i32
    %dma_wait3A_70 = tpu.memref_slice %arg5[%mul3A_68, %dma_wait3A_69] : memref<100000x128xf32, #tpu.memory_space<hbm>> -> memref<160x128xf32, #tpu.memory_space<hbm>>
    %dma_wait3A_71 = arith.constant 0 : i32
    %dma_wait3A_72 = tpu.memref_slice %arg5[%mul3A_68, %dma_wait3A_71] : memref<100000x128xf32, #tpu.memory_space<hbm>> -> memref<160x128xf32, #tpu.memory_space<hbm>>
    tpu.wait_dma2 semaphore(%arg24 : memref<!tpu.dma_semaphore, #tpu.memory_space<semaphore_mem>>) src(%arg14 : memref<160x128xf32, #tpu.memory_space<vmem>>) dst(%dma_wait3A_72 : memref<160x128xf32, #tpu.memory_space<hbm>>)
    %add3A_73 = arith.constant 0 : i32
    %add3A_74 = arith.addi %add3A, %add3A_73 : i32
    %mul3A_75 = arith.constant 160 : i32
    %mul3A_76 = arith.muli %add3A_74, %mul3A_75 : i32
    %dma_wait3A_77 = arith.constant 0 : i32
    %dma_wait3A_78 = tpu.memref_slice %arg5[%mul3A_76, %dma_wait3A_77] : memref<100000x128xf32, #tpu.memory_space<hbm>> -> memref<160x128xf32, #tpu.memory_space<hbm>>
    %dma_wait3A_79 = arith.constant 0 : i32
    %dma_wait3A_80 = tpu.memref_slice %arg5[%mul3A_76, %dma_wait3A_79] : memref<100000x128xf32, #tpu.memory_space<hbm>> -> memref<160x128xf32, #tpu.memory_space<hbm>>
    tpu.wait_dma2 semaphore(%arg25 : memref<!tpu.dma_semaphore, #tpu.memory_space<semaphore_mem>>) src(%arg15 : memref<160x128xf32, #tpu.memory_space<vmem>>) dst(%dma_wait3A_80 : memref<160x128xf32, #tpu.memory_space<hbm>>)
    %add3A_81 = arith.constant 0 : i32
    %add3A_82 = arith.addi %add3A, %add3A_81 : i32
    %mul3A_83 = arith.constant 160 : i32
    %mul3A_84 = arith.muli %add3A_82, %mul3A_83 : i32
    %dma_wait3A_85 = arith.constant 0 : i32
    %dma_wait3A_86 = tpu.memref_slice %arg5[%mul3A_84, %dma_wait3A_85] : memref<100000x128xf32, #tpu.memory_space<hbm>> -> memref<160x128xf32, #tpu.memory_space<hbm>>
    %dma_wait3A_87 = arith.constant 0 : i32
    %dma_wait3A_88 = tpu.memref_slice %arg5[%mul3A_84, %dma_wait3A_87] : memref<100000x128xf32, #tpu.memory_space<hbm>> -> memref<160x128xf32, #tpu.memory_space<hbm>>
    tpu.wait_dma2 semaphore(%arg26 : memref<!tpu.dma_semaphore, #tpu.memory_space<semaphore_mem>>) src(%arg16 : memref<160x128xf32, #tpu.memory_space<vmem>>) dst(%dma_wait3A_88 : memref<160x128xf32, #tpu.memory_space<hbm>>)
    return
  }
}

</mosaic_0001>

<sc_bundles>
// kernel: kernel.3.cloned.1.call-start
scs
__scs_entry_jumppad:
0x0: {  	(pc) =	sbr.rel $0x88, $3  }
0x1: {  	(tag) =	ssettag $0x0;
	lr =	simm.s32 $0x1  }
0x2: {  	[smem:$0x3F9E] =	sst lr;
	_ =	strace $0xD0000000  }
0x3: {  	_ = 	snop  }
0x4: {  	_ = 	snop  }
0x5: {  	_ = 	snop  }
0x6: {  	_ = 	snop  }
0x7: {  	_ = 	snop  }
__scs_overlays_trampoline_lowered:
0x8: {  	[smem:$0x3FAD] =	sst s0  }
0x9: {  	[smem:$0x3FAE] =	sst s1  }
0xa: {  	[smem:$0x3FAF] =	sst s2  }
0xb: {  	[smem:$0x3FB0] =	sst s3  }
0xc: {  	[smem:$0x3FB1] =	sst s4  }
0xd: {  	[smem:$0x3FB2] =	sst s5  }
0xe: {  	[smem:$0x3FB3] =	sst s6  }
0xf: {  	[smem:$0x3FB4] =	sst s7  }
0x10: {  	[smem:$0x3FB5] =	sst s8  }
0x11: {  	[smem:$0x3FB6] =	sst s9;
	s0 =	simm.s32 @!p0 $0x0  }
0x12: {  	s1 =	sld [smem:$0x3F9C];
	s0 =	simm.s32 @p0 $0x1  }
0x13: {  	[smem:$0x3FB7] =	sst s0;
	s0 =	simm.s32 @!p1 $0x0  }
0x14: {  	s2 =	sld [smem:$0x3F9B];
	s0 =	simm.s32 @p1 $0x1  }
0x15: {  	[smem:$0x3FB8] =	sst s0;
	s0 =	simm.s32 @!p2 $0x0  }
0x16: {  	s3 =	sld [smem:$0x3FDB];
	s0 =	simm.s32 @p2 $0x1  }
0x17: {  	s4 =	simm.s32 $0x1BF5;
	[smem:$0x3FBA] =	sst s0  }
0x18: {  	s0 =	sld [smem:$0x3F9D];
	_ =	swait.ge [sflag:s4], $0x0  }
0x19: {  	s7 =	sld [smem:$0x3F9E]  }
0x1a: {  	s8 =	sadd.s32 $0xFFFFE003, lr  }
0x1b: {  	s9 =	sadd.s32 $0xFFFFFEF7, lr;
	s5 =	simm.s32 $0xFFFFFFFF;
	p2 =	slt.u32 s8, $0xFFFFF086  }
0x1c: {  	p1 =	slt.u32 s9, $0xF7A;
	s5 =	simm.s32 @!p2 $0x0  }
0x1d: {  	s5 =	simm.s32 @p1 $0x1;
	p0 =	seq.s32 s7, s2  }
0x1e: {  	s7 =	smul.u32 @!p0 $0xF7A, s2;
	p2 =	seq.s32 @!p0 s5, $0x0  }
0x1f: {  	s9 =	smul.u32 $0xF7A, s1;
	s8 =	simm.s32 @!p0 $0x1BF5;
	p2 =	por !p2, p0  }
0x20: {  	[sflag:s8] =	ssyncset.s32 @!p0 $0xFFFFF086;
	s6 =	sadd.s32 @!p0 s3, s7;
	s7 =	simm.s32 @!p0 $0x108  }
0x21: {  	s3 =	sadd.s32 s3, s9;
	s6 =	sadd.s32 @!p0 $0x88, s6;
	s7 =	simm.s32 @p2 $0x1082  }
0x22: {  	[simem:s7], [sflag:s8] =	dma.local @!p0 [hbm:s6], $0xF7A  }
0x23: {  	s9 =	sor.u32 $0xD0000000, s2;
	s6 =	simm.s32 $0x108;
	_ =	swait.ge @!p0 [sflag:s8], $0x0  }
0x24: {  	s3 =	sadd.s32 $0x88, s3;
	s6 =	simm.s32 @!p1 $0x1082;
	[sflag:s4] =	ssyncset.s32 $0xFFFFF086  }
0x25: {  	[simem:s6], [sflag:s4] =	dma.local [hbm:s3], $0xF7A  }
0x26: {  	[smem:$0x3F9E] =	sst s1;
	(tag) =	ssettag s2;
	_ =	strace s9  }
0x27: {  	s1 =	sld [smem:$0x3FAE]  }
0x28: {  	s2 =	sld [smem:$0x3FAF]  }
0x29: {  	s4 =	sld [smem:$0x3FB1]  }
0x2a: {  	p0 =	seq.s32 s5, $0x0;
	s5 =	sld [smem:$0x3FB2]  }
0x2b: {  	s6 =	sld [smem:$0x3FB3]  }
0x2c: {  	s7 =	sld [smem:$0x3FB4]  }
0x2d: {  	s3 =	simm.s32 $0x108;
	s8 =	sld [smem:$0x3FB5]  }
0x2e: {  	s3 =	simm.s32 @!p0 $0x1082;
	s9 =	sld [smem:$0x3FB6]  }
0x2f: {  	lr =	sadd.s32 s0, s3;
	s0 =	sld [smem:$0x3FAD]  }
0x30: {  	s3 =	sld [smem:$0x3FB0]  }
0x31: {  	[smem:$0x3FB9] =	sst s10  }
0x32: {  	s10 =	sld [smem:$0x3FB7];
	_ =	sdelay $0x3  }
0x33: {  	p0 =	seq.s32 s10, $0x1;
	s10 =	sld [smem:$0x3FB9];
	_ =	sdelay $0x3  }
0x34: {  	[smem:$0x3FB9] =	sst s10  }
0x35: {  	s10 =	sld [smem:$0x3FB8];
	_ =	sdelay $0x3  }
0x36: {  	p1 =	seq.s32 s10, $0x1;
	s10 =	sld [smem:$0x3FB9];
	_ =	sdelay $0x3  }
0x37: {  	[smem:$0x3FB9] =	sst s10  }
0x38: {  	s10 =	sld [smem:$0x3FBA]  }
0x39: {  	_ = 	snop;
	(pc) =	sbr.ind lr, $3  }
0x3a: {  	_ = 	snop  }
0x3b: {  	_ = 	snop  }
0x3c: {  	p2 =	seq.s32 s10, $0x1;
	s10 =	sld [smem:$0x3FB9]  }
0x3d: {  	_ =	shalt  }
0x3e: {  	_ =	shalt  }
0x3f: {  	_ =	shalt  }
0x40: {  	_ =	shalt  }
0x41: {  	_ =	shalt  }
0x42: {  	_ =	shalt  }
0x43: {  	_ =	shalt  }
0x44: {  	_ =	shalt  }
0x45: {  	_ =	shalt  }
0x46: {  	_ =	shalt  }
0x47: {  	_ =	shalt  }
0x48: {  	_ =	shalt  }
0x49: {  	_ =	shalt  }
0x4a: {  	_ =	shalt  }
0x4b: {  	_ =	shalt  }
0x4c: {  	_ =	shalt  }
0x4d: {  	_ =	shalt  }
0x4e: {  	_ =	shalt  }
0x4f: {  	_ =	shalt  }
0x50: {  	_ =	shalt  }
0x51: {  	_ =	shalt  }
0x52: {  	_ =	shalt  }
0x53: {  	_ =	shalt  }
0x54: {  	_ =	shalt  }
0x55: {  	_ =	shalt  }
0x56: {  	_ =	shalt  }
0x57: {  	_ =	shalt  }
0x58: {  	_ =	shalt  }
0x59: {  	_ =	shalt  }
0x5a: {  	_ =	shalt  }
0x5b: {  	_ =	shalt  }
0x5c: {  	_ =	shalt  }
0x5d: {  	_ =	shalt  }
0x5e: {  	_ =	shalt  }
0x5f: {  	_ =	shalt  }
0x60: {  	_ =	shalt  }
0x61: {  	_ =	shalt  }
0x62: {  	_ =	shalt  }
0x63: {  	_ =	shalt  }
0x64: {  	_ =	shalt  }
0x65: {  	_ =	shalt  }
0x66: {  	_ =	shalt  }
0x67: {  	_ =	shalt  }
0x68: {  	_ =	shalt  }
0x69: {  	_ =	shalt  }
0x6a: {  	_ =	shalt  }
0x6b: {  	_ =	shalt  }
0x6c: {  	_ =	shalt  }
0x6d: {  	_ =	shalt  }
0x6e: {  	_ =	shalt  }
0x6f: {  	_ =	shalt  }
0x70: {  	_ =	shalt  }
0x71: {  	_ =	shalt  }
0x72: {  	_ =	shalt  }
0x73: {  	_ =	shalt  }
0x74: {  	_ =	shalt  }
0x75: {  	_ =	shalt  }
0x76: {  	_ =	shalt  }
0x77: {  	_ =	shalt  }
0x78: {  	_ =	shalt  }
0x79: {  	_ =	shalt  }
0x7a: {  	_ =	shalt  }
0x7b: {  	_ =	shalt  }
0x7c: {  	_ =	shalt  }
0x7d: {  	_ =	shalt  }
0x7e: {  	_ =	shalt  }
0x7f: {  	_ =	shalt  }
0x80: {  	_ =	shalt  }
0x81: {  	_ =	shalt  }
0x82: {  	_ =	shalt  }
0x83: {  	_ =	shalt  }
0x84: {  	_ =	shalt  }
0x85: {  	_ =	shalt  }
0x86: {  	_ =	shalt  }
0x87: {  	_ =	shalt  }
.Lfunc_end0:
.L_simem_size_0:
called_computation_lowered:
.L_overlay_start_0:
0x88: {  	s2 =	sld [smem:$0x3FD9]  }
0x89: {  	s3 =	sld [smem:$0x3FFE];
	_ =	sdelay $0x1  }
0x8a: {  	s1 =	srdreg.scid  }
0x8b: {  	s0 =	sand.u32 $0x1, s1  }
0x8c: {  	s18 =	sshll.u32 s0, $0xA;
	s2 =	sadd.s32 s3, s2  }
0x8d: {  	s2 =	sadd.s32 s2, s18  }
0x8e: {  	[smem:$0x3FC5] =	sst s2  }
0x8f: {  	_ = 	snop  }
0x90: {  	s2 =	sld [smem:$0x3FC9]  }
0x91: {  	s19 =	sld [smem:$0x3FC8]  }
0x92: {  	s4 =	sld [smem:$0x3FC7]  }
0x93: {  	s5 =	sld [smem:$0x3FD0];
	(tm) =	ssettm $0x1  }
0x94: {  	s6 =	sld [smem:$0x3FFB];
	_ =	sdelay $0x3  }
0x95: {  	_ =	strace s6  }
0x96: {  	s6 =	sld [smem:$0x3FFC];
	_ =	sdelay $0x3  }
0x97: {  	_ =	strace s6  }
0x98: {  	s6 =	sld [smem:$0x3FFD];
	_ =	sdelay $0x3  }
0x99: {  	_ =	strace s6  }
0x9a: {  	_ =	strace $0x8FFFFFFF  }
0x9b: {  	s20 =	sld [smem:$0x3FDB];
	_ =	sdelay $0x1  }
0x9c: {  	s7 =	simm.s32 $_scs_section_size  }
0x9d: {  	s8 =	simm.s32 $_size__tile_overlayer_lowered;
	s9 =	simm.s32 $_tile_overlayer_lowered  }
0x9e: {  	s23 =	simm.s32 $0x1BFF;
	s22 =	sshll.u32 s9, $0x1;
	s6 =	sadd.s32 s7, s20  }
0x9f: {  	s10 =	simm.s32 $0x0;
	s21 =	sshll.u32 s8, $0x1;
	s8 =	sadd.s32 s22, s6  }
0xa0: {  	[timem:s10], [sflag:s23] =	dma.local [hbm:s8], s21  }
0xa1: {  	_ =	swait.ge [sflag:s23], s21  }
0xa2: {  	s7 =	ssub.s32 $0x0, s21;
	[sflag:s23] =	ssyncset.done $0x0  }
0xa3: {  	[sflag:s23] =	ssyncadd.s32 s7;
	_ =	sdelay $0x1  }
0xa4: {  	s24 =	simm.s32 $0x1B8B  }
0xa5: {  	_ =	swait.ge [sflag:s24], $0x1  }
0xa6: {  	[sflag:s24] =	ssyncset.done $0x0  }
0xa7: {  	s25 =	simm.s32 $0x1B8E;
	[sflag:s24] =	ssyncadd.s32 $0xFFFFFFFF  }
0xa8: {  	s26 =	simm.s32 $execute0_lowered;
	[smem:$0x3FD2] =	sst s25  }
0xa9: {  	s7 =	sshll.u32 s26, $0x1;
	_ =	strace $0x80000046;
	[dreg:$0x1] =	wrdreg $0xFFFFFFFF  }
0xaa: {  	s28 =	simm.s32 $_size_execute0_lowered;
	s6 =	sadd.s32 s6, s7;
	[dreg:$0x0] =	wrdreg $0x0  }
0xab: {  	s7 =	sshll.u32 s28, $0x1;
	[dreg:$0x2] =	wrdreg s6  }
0xac: {  	[dreg:$0x3] =	wrdreg s7  }
0xad: {  	[dreg:$0x4] =	wrdreg $0xC0  }
0xae: {  	_ =	task [dreg:s10], $0x5FFFF  }
0xaf: {  	[dreg:$0x1] =	wrdreg $0xFFFFFFFF  }
0xb0: {  	[dreg:$0x0] =	wrdreg $0x60  }
0xb1: {  	[dreg:$0x2] =	wrdreg s2  }
0xb2: {  	[dreg:$0x3] =	wrdreg s19  }
0xb3: {  	[dreg:$0x4] =	wrdreg s4  }
0xb4: {  	[dreg:$0x5] =	wrdreg s5  }
0xb5: {  	[dreg:$0x6] =	wrdreg $0x0  }
0xb6: {  	[dreg:$0x7] =	wrdreg $0x9  }
0xb7: {  	_ =	task.clear_ibuf [dreg:s10], $0x8FFFF;
	_ =	strace $0x90000046  }
0xb8: {  	s29 =	simm.s32 $0x9;
	_ =	strace $0x80000048  }
0xb9: {  	_ =	swait.ge [sflag:s29], $0x1  }
0xba: {  	[sflag:s29] =	ssyncadd.s32 $0xFFFFFFFF  }
0xbb: {  	_ =	strace $0x90000048  }
0xbc: {  	_ =	sfence  }
0xbd: {  	s30 =	sld [smem:$0x0];
	_ =	sdelay $0x2  }
0xbe: {  	s31 =	sshll.u32 s1, $0xD;
	s1 =	sshrl.u32 s1, $0x2  }
0xbf: {  	s3 =	sand.u32 $0x4000, s31;
	s1 =	sadd.s32 s1, s30  }
0xc0: {  	s0 =	sor.u32 s3, s0;
	s1 =	sshll.u32 s1, $0x11  }
0xc1: {  	s0 =	sor.u32 s1, s0  }
0xc2: {  	s0 =	sadd.s32 $0x8F2B, s0  }
0xc3: {  	[sflag:s0] =	ssyncadd.remote.s32 $0x1  }
0xc4: {  	_ =	sfence.sel $0xFFFF  }
0xc5: {  	[dreg:$0x0] =	wrdreg $0xFFFFFFFF;
	(pc) =	sbr.abs _section_cstart, $3  }
0xc6: {  	[dreg:$0x1] =	wrdreg $0xFFFFFFFF  }
0xc7: {  	_ =	task.clear_ibuf [dreg:s10], $0x2FFFF;
	_ =	strace $0x9FFFFFFF  }
0xc8: {  	(tm) =	ssettm $0x7FFFFFFF  }
0xc9: {  	_ =	shalt  }
tec
execute0_lowered:
.L_overlay_start_1:
0x0: {  	(tag) =	ssettag $0x1  }
0x1: {  	s0 =	rddreg [dreg:$0x0]  }
0x2: {  	s1 =	rddreg [dreg:$0x1]  }
0x3: {  	s5 =	rddreg [dreg:$0x3];
	s3 =	srdreg.scid  }
0x4: {  	s6 =	stileid.u32;
	s2 =	rddreg [dreg:$0x4]  }
0x5: {  	s15 =	simm.s32 $0x5520;
	s18 =	simm.s32 $0xA520;
	s19 =	simm.s32 $0x220  }
0x6: {  	s20 =	simm.s32 $0x1;
	s21 =	simm.s32 $0xA0;
	s22 =	simm.s32 $0xB  }
0x7: {  	s23 =	simm.s32 $0xF520;
	s28 =	simm.s32 $0x4;
	s25 =	smul.u32 $0x1400, s6  }
0x8: {  	s7 =	sand.u32 $0x1, s3;
	s4 =	sshll.u32 s6, $0x1;
	s13 =	smul.u32 $0x28, s6  }
0x9: {  	s3 =	simm.s32 $0x0;
	s4 =	sor.u32 s7, s4;
	s30 =	smul.u32 $0xA00, s7  }
0xa: {  	[smem:$0x7FF] =	sst s3;
	s8 =	ssub.s32 $0x2, s7;
	s7 =	smul.u32 $0x14, s7  }
0xb: {  	p0 =	sne.s32 s6, $0x0;
	s9 =	smul.u32 $0xA00, s4;
	_ =	strace $0x80000047  }
0xc: {  	s10 =	sshrl.u32 s8, $0x1;
	s11 =	smul.u32 $0x14, s4;
	s24 =	ssub.s32 $0x290, s4  }
0xd: {  	s12 =	smul.u32 $0xA0, s4;
	s5 =	sadd.s32 s25, s5;
	s8 =	ssub.s32 s8, s10  }
0xe: {  	s4 =	sshrl.u32 s24, $0x5;
	s24 =	simm.s32 $0x320;
	s9 =	sadd.s32 s0, s9  }
0xf: {  	s26 =	sadd.s32 s1, s11;
	s29 =	sadd.s32 $0x1400, s12;
	[dreg:$0x6] =	wrdreg s9  }
0x10: {  	s8 =	smax.u32 s8, $0x1;
	[dreg:$0x7] =	wrdreg s26;
	s31 =	sshll.u32 s29, $0x4  }
0x11: {  	s10 =	sshrl.u32 s29, $0x3;
	[dreg:$0xa] =	wrdreg s8;
	s11 =	sadd.s32 s0, s31  }
0x12: {  	s26 =	simm.s32 $0x3;
	s10 =	sadd.s32 s1, s10;
	[dreg:$0x8] =	wrdreg s11  }
0x13: {  	s1 =	sadd.s32 s13, s1;
	s0 =	sadd.s32 s25, s0;
	[dreg:$0x9] =	wrdreg s10  }
0x14: {  	s1 =	sadd.s32 s7, s1;
	s12 =	sadd.s32 s30, s0;
	s0 =	sshrl.u32 @!p0 s2, $0x3  }
0x15: {  	s25 =	simm.s32 $0x2;
	s1 =	sadd.s32 $0x780, s1;
	[dreg:$0xc] =	wrdreg s0  }
0x16: {  	s10 =	sadd.s32 s30, s5;
	s5 =	simm.s32 $0x0;
	[dreg:$0xb] =	wrdreg s1  }
.LBB2_1:
0x17: {  	[dreg:$0xd] =	wrdreg s5  }
0x18: {  	s0 =	rddreg [dreg:$0x6]  }
0x19: {  	s6 =	rddreg [dreg:$0x7]  }
0x1a: {  	s7 =	simm.s32 $0x520;
	s9 =	rddreg [dreg:$0x8]  }
0x1b: {  	[tilespmem:s7], [sflag:$0x1] =	stream.linear.gather [hbm4b:s0+s3], $0x5000, $0x38;
	[tilespmem:$0x19520] =	vst v63  }
0x1c: {  	s8 =	simm.s32 $0x20;
	s11 =	rddreg [dreg:$0x9]  }
0x1d: {  	[tilespmem:s8], [sflag:$0x1] =	stream.linear.gather [hbm4b:s6+s3], $0xA0, $0x38;
	[tilespmem:$0x19520] =	vst v63  }
0x1e: {  	s1 =	rddreg [dreg:$0x2]  }
0x1f: {  	[tilespmem:s15], [sflag:$0x2] =	stream.linear.gather [hbm4b:s9+s3], $0x5000, $0x38;
	[tilespmem:$0x19520] =	vst v63  }
0x20: {  	s5 =	rddreg [dreg:$0xc];
	s0 =	simm.s32 @!p0 $0x1C0B;
	s9 =	simm.s32 $0x120  }
0x21: {  	[tilespmem:s9], [sflag:$0x2] =	stream.linear.gather [hbm4b:s11+s3], $0xA0, $0x38;
	[tilespmem:$0x19520] =	vst v63  }
0x22: {  	[spmem:s5], [sflag:s0] =	dma.local @!p0 [hbm:s1], $0x40  }
0x23: {  	s0 =	simm.s32 @!p0 $0xB  }
0x24: {  	_ =	swait.ge @!p0 [sflag:s0], $0x40  }
0x25: {  	[sflag:s0] =	ssyncset.done @!p0 $0x0  }
0x26: {  	p1 =	por $0x1, $0x1;
	[sflag:s0] =	ssyncadd.s32 @!p0 $0xFFFFFFC0  }
0x27: {  	s0 =	simm.s32 @!p1 $0x8;
	[bflag:$0x0] =	sbarrier.arrive $0xFFFF  }
0x28: {  	_ =	swait.ge @!p1 [sflag:s0], $0x5000  }
0x29: {  	s13 =	sadd.s32 $0x0, s12;
	[sflag:s0] =	ssyncset.done @!p1 $0x0  }
0x2a: {  	s6 =	sadd.s32 $0x28000, s13;
	s5 =	rddreg [dreg:$0xb];
	[sflag:s0] =	ssyncadd.s32 @!p1 $0xFFFFB000  }
0x2b: {  	[tilespmem:s18], [sflag:$0x3] =	stream.linear.gather [hbm4b:s6+s3], $0x5000, $0x38;
	[tilespmem:$0x19520] =	vst v63  }
0x2c: {  	s14 =	sadd.s32 $0xFFFFFD80, s5  }
0x2d: {  	[tilespmem:s19], [sflag:$0x3] =	stream.linear.gather [hbm4b:s14+s3], $0xA0, $0x38;
	[tilespmem:$0x19520] =	vst v63  }
0x2e: {  	_ =	swait.ge [sflag:s20], $0x5000  }
0x2f: {  	[sflag:s20] =	ssyncset.done $0x0  }
0x30: {  	[sflag:s20] =	ssyncadd.s32 $0xFFFFB000  }
0x31: {  	_ =	swait.ge [sflag:s20], $0xA0  }
0x32: {  	[sflag:s20] =	ssyncset.done $0x0  }
0x33: {  	[sflag:s20] =	ssyncadd.s32 $0xFFFFFF60  }
0x34: {  	[tilespmem:s7], [sflag:$0xB] =	stream.indirect.gather.add.f32 [spmem:s2], $0x80, s8, s21, $0xb8;
	[tilespmem:$0x19520] =	vst v63  }
0x35: {  	_ =	swait.ge [sflag:s22], $0x5000  }
0x36: {  	[sflag:s22] =	ssyncset.done $0x0  }
0x37: {  	s16 =	sadd.s32 $0x0, s10;
	s6 =	simm.s32 @!p1 $0x9;
	[sflag:s22] =	ssyncadd.s32 $0xFFFFB000  }
0x38: {  	[hbm4b:s16+s3] =	stream.linear.scatter [tilespmem:s7], [sflag:$0x6], $0x5000, $0x38;
	[tilespmem:$0x19520] =	vst v63  }
0x39: {  	_ =	swait.ge @!p1 [sflag:s6], $0x5000  }
0x3a: {  	[sflag:s6] =	ssyncset.done @!p1 $0x0  }
0x3b: {  	s1 =	sadd.s32 $0x3C000, s13;
	[sflag:s6] =	ssyncadd.s32 @!p1 $0xFFFFB000  }
0x3c: {  	[tilespmem:s23], [sflag:$0x4] =	stream.linear.gather [hbm4b:s1+s3], $0x5000, $0x38;
	[tilespmem:$0x19520] =	vst v63  }
0x3d: {  	_ = 	snop  }
0x3e: {  	[tilespmem:s24], [sflag:$0x4] =	stream.linear.gather [hbm4b:s5+s3], $0xA0, $0x38;
	[tilespmem:$0x19520] =	vst v63  }
0x3f: {  	_ =	swait.ge [sflag:s25], $0x5000  }
0x40: {  	[sflag:s25] =	ssyncset.done $0x0  }
0x41: {  	[sflag:s25] =	ssyncadd.s32 $0xFFFFB000  }
0x42: {  	_ =	swait.ge [sflag:s25], $0xA0  }
0x43: {  	[sflag:s25] =	ssyncset.done $0x0  }
0x44: {  	p1 =	sle.u32 s4, $0x4;
	[sflag:s25] =	ssyncadd.s32 $0xFFFFFF60  }
0x45: {  	[tilespmem:s15], [sflag:$0xB] =	stream.indirect.gather.add.f32 [spmem:s2], $0x80, s9, s21, $0xb8;
	[tilespmem:$0x19520] =	vst v63  }
0x46: {  	p2 =	por @!p1 $0x1, $0x1;
	_ =	swait.ge [sflag:s22], $0x5000  }
0x47: {  	p2 =	por p2, p1;
	[sflag:s22] =	ssyncset.done $0x0  }
0x48: {  	s17 =	sadd.s32 $0x14000, s16;
	s6 =	simm.s32 @!p2 $0xA;
	[sflag:s22] =	ssyncadd.s32 $0xFFFFB000  }
0x49: {  	[hbm4b:s17+s3] =	stream.linear.scatter [tilespmem:s15], [sflag:$0x7], $0x5000, $0x38;
	[tilespmem:$0x19520] =	vst v63  }
0x4a: {  	_ =	swait.ge @!p2 [sflag:s6], $0x5000  }
0x4b: {  	s1 =	sadd.s32 @!p1 $0x0, s12;
	s29 =	simm.s32 @!p1 $0x14520;
	[sflag:s6] =	ssyncset.done @!p2 $0x0  }
0x4c: {  	s1 =	sadd.s32 @!p1 $0x50000, s1;
	s17 =	simm.s32 @!p1 $0x0;
	[sflag:s6] =	ssyncadd.s32 @!p2 $0xFFFFB000  }
0x4d: {  	[tilespmem:s29], [sflag:$0x5] =	stream.linear.gather @!p1 [hbm4b:s1+s17], $0x5000, $0x38;
	[tilespmem:$0x19520] =	vst v63  }
0x4e: {  	s6 =	sadd.s32 @!p1 $0x280, s5;
	s1 =	simm.s32 @!p1 $0x420  }
0x4f: {  	[tilespmem:s1], [sflag:$0x5] =	stream.linear.gather @!p1 [hbm4b:s6+s17], $0xA0, $0x38;
	[tilespmem:$0x19520] =	vst v63  }
0x50: {  	_ =	swait.ge [sflag:s26], $0x5000  }
0x51: {  	[sflag:s26] =	ssyncset.done $0x0  }
0x52: {  	[sflag:s26] =	ssyncadd.s32 $0xFFFFB000  }
0x53: {  	_ =	swait.ge [sflag:s26], $0xA0  }
0x54: {  	[sflag:s26] =	ssyncset.done $0x0  }
0x55: {  	[sflag:s26] =	ssyncadd.s32 $0xFFFFFF60  }
0x56: {  	[tilespmem:s18], [sflag:$0xB] =	stream.indirect.gather.add.f32 [spmem:s2], $0x80, s19, s21, $0xb8;
	[tilespmem:$0x19520] =	vst v63  }
0x57: {  	_ =	swait.ge [sflag:s22], $0x5000  }
0x58: {  	p2 =	sle.u32 s4, $0x5;
	[sflag:s22] =	ssyncset.done $0x0  }
0x59: {  	s30 =	sadd.s32 $0x28000, s16;
	s7 =	simm.s32 @!p2 $0x6;
	[sflag:s22] =	ssyncadd.s32 $0xFFFFB000  }
0x5a: {  	[hbm4b:s30+s3] =	stream.linear.scatter [tilespmem:s18], [sflag:$0x8], $0x5000, $0x38;
	[tilespmem:$0x19520] =	vst v63  }
0x5b: {  	_ =	swait.ge @!p2 [sflag:s7], $0x5000  }
0x5c: {  	s8 =	simm.s32 @!p2 $0x0;
	s6 =	sadd.s32 @!p2 $0x0, s12;
	[sflag:s7] =	ssyncset.done @!p2 $0x0  }
0x5d: {  	s9 =	simm.s32 @!p2 $0x520;
	s6 =	sadd.s32 @!p2 $0x64000, s6;
	[sflag:s7] =	ssyncadd.s32 @!p2 $0xFFFFB000  }
0x5e: {  	[tilespmem:s9], [sflag:$0x1] =	stream.linear.gather @!p2 [hbm4b:s6+s8], $0x5000, $0x38;
	[tilespmem:$0x19520] =	vst v63  }
0x5f: {  	s7 =	simm.s32 @!p2 $0x20;
	s6 =	sadd.s32 @!p2 $0x500, s5  }
0x60: {  	[tilespmem:s7], [sflag:$0x1] =	stream.linear.gather @!p2 [hbm4b:s6+s8], $0xA0, $0x38;
	[tilespmem:$0x19520] =	vst v63  }
0x61: {  	_ =	swait.ge [sflag:s28], $0x5000  }
0x62: {  	[sflag:s28] =	ssyncset.done $0x0  }
0x63: {  	[sflag:s28] =	ssyncadd.s32 $0xFFFFB000  }
0x64: {  	_ =	swait.ge [sflag:s28], $0xA0  }
0x65: {  	[sflag:s28] =	ssyncset.done $0x0  }
0x66: {  	[sflag:s28] =	ssyncadd.s32 $0xFFFFFF60  }
0x67: {  	[tilespmem:s23], [sflag:$0xB] =	stream.indirect.gather.add.f32 [spmem:s2], $0x80, s24, s21, $0xb8;
	[tilespmem:$0x19520] =	vst v63  }
0x68: {  	p2 =	sle.u32 @!p1 s4, $0x6;
	_ =	swait.ge [sflag:s22], $0x5000  }
0x69: {  	p2 =	por p2, p1;
	[sflag:s22] =	ssyncset.done $0x0  }
0x6a: {  	s0 =	sadd.s32 $0x3C000, s16;
	s6 =	simm.s32 @!p2 $0x7;
	[sflag:s22] =	ssyncadd.s32 $0xFFFFB000  }
0x6b: {  	[hbm4b:s0+s3] =	stream.linear.scatter [tilespmem:s23], [sflag:$0x9], $0x5000, $0x38;
	[tilespmem:$0x19520] =	vst v63  }
0x6c: {  	_ =	swait.ge @!p2 [sflag:s6], $0x5000  }
0x6d: {  	s7 =	simm.s32 @!p2 $0x0;
	s0 =	sadd.s32 @!p2 $0x0, s12;
	[sflag:s6] =	ssyncset.done @!p2 $0x0  }
0x6e: {  	s8 =	simm.s32 @!p2 $0x5520;
	s0 =	sadd.s32 @!p2 $0x78000, s0;
	[sflag:s6] =	ssyncadd.s32 @!p2 $0xFFFFB000  }
0x6f: {  	[tilespmem:s8], [sflag:$0x2] =	stream.linear.gather @!p2 [hbm4b:s0+s7], $0x5000, $0x38;
	[tilespmem:$0x19520] =	vst v63  }
0x70: {  	s6 =	simm.s32 @!p2 $0x120;
	s0 =	sadd.s32 @!p2 $0x780, s5;
	s8 =	simm.s32 @!p1 $0x5  }
0x71: {  	[tilespmem:s6], [sflag:$0x2] =	stream.linear.gather @!p2 [hbm4b:s0+s7], $0xA0, $0x38;
	[tilespmem:$0x19520] =	vst v63  }
0x72: {  	_ =	swait.ge @!p1 [sflag:s8], $0x5000  }
0x73: {  	[sflag:s8] =	ssyncset.done @!p1 $0x0  }
0x74: {  	[sflag:s8] =	ssyncadd.s32 @!p1 $0xFFFFB000  }
0x75: {  	_ =	swait.ge @!p1 [sflag:s8], $0xA0  }
0x76: {  	p3 =	por $0x0, $0x0;
	s9 =	simm.s32 $0xC8000;
	[sflag:s8] =	ssyncset.done @!p1 $0x0  }
0x77: {  	s0 =	sadd.s32 @!p1 $0x0, s10;
	s7 =	simm.s32 @!p1 $0xA0;
	[sflag:s8] =	ssyncadd.s32 @!p1 $0xFFFFFF60  }
0x78: {  	[tilespmem:s29], [sflag:$0xB] =	stream.indirect.gather.add.f32 @!p1 [spmem:s2], $0x80, s1, s7, $0xb8;
	[tilespmem:$0x19520] =	vst v63  }
0x79: {  	s6 =	simm.s32 $0x64000;
	s31 =	sadd.s32 @!p1 $0x50000, s0;
	s1 =	simm.s32 @!p1 $0xB  }
0x7a: {  	s8 =	simm.s32 $0xB;
	s7 =	sadd.s32 $0xC80, s5;
	_ =	swait.ge @!p1 [sflag:s1], $0x5000  }
.LBB2_2:
0x7b: {  	s0 =	simm.s32 @!p3 $0x8  }
0x7c: {  	[sflag:s1] =	ssyncset.done @!p1 $0x0;
	s30 =	smov.u32 s9;
	s9 =	sadd.s32 $0x64000, s9  }
0x7d: {  	p2 =	sne.s32 s9, $0x190000;
	[sflag:s1] =	ssyncadd.s32 @!p1 $0xFFFFB000  }
0x7e: {  	[hbm4b:s31+s17] =	stream.linear.scatter @!p1 [tilespmem:s29], [sflag:$0xA], $0x5000, $0x38;
	[tilespmem:$0x19520] =	vst v63  }
0x7f: {  	s17 =	sadd.s32 s6, s12;
	_ =	swait.ge @!p3 [sflag:s0], $0x5000  }
0x80: {  	s1 =	sadd.s32 $0x28000, s17;
	[sflag:s0] =	ssyncset.done @!p3 $0x0  }
0x81: {  	[sflag:s0] =	ssyncadd.s32 @!p3 $0xFFFFB000  }
0x82: {  	[tilespmem:s18], [sflag:$0x3] =	stream.linear.gather [hbm4b:s1+s3], $0x5000, $0x38;
	[tilespmem:$0x19520] =	vst v63  }
0x83: {  	s0 =	sadd.s32 $0xFFFFFD80, s7  }
0x84: {  	[tilespmem:s19], [sflag:$0x3] =	stream.linear.gather [hbm4b:s0+s3], $0xA0, $0x38;
	[tilespmem:$0x19520] =	vst v63  }
0x85: {  	_ =	swait.ge [sflag:s20], $0x5000  }
0x86: {  	[sflag:s20] =	ssyncset.done $0x0  }
0x87: {  	[sflag:s20] =	ssyncadd.s32 $0xFFFFB000  }
0x88: {  	_ =	swait.ge [sflag:s20], $0xA0  }
0x89: {  	[sflag:s20] =	ssyncset.done $0x0  }
0x8a: {  	s5 =	simm.s32 $0x520;
	s0 =	simm.s32 $0x20;
	[sflag:s20] =	ssyncadd.s32 $0xFFFFFF60  }
0x8b: {  	[tilespmem:s5], [sflag:$0xB] =	stream.indirect.gather.add.f32 [spmem:s2], $0x80, s0, s21, $0xb8;
	[tilespmem:$0x19520] =	vst v63  }
0x8c: {  	_ =	swait.ge [sflag:s22], $0x5000  }
0x8d: {  	s1 =	sadd.s32 s6, s10;
	s0 =	simm.s32 @!p3 $0x9;
	[sflag:s22] =	ssyncset.done $0x0  }
0x8e: {  	[sflag:s22] =	ssyncadd.s32 $0xFFFFB000  }
0x8f: {  	[hbm4b:s1+s3] =	stream.linear.scatter [tilespmem:s5], [sflag:$0x6], $0x5000, $0x38;
	[tilespmem:$0x19520] =	vst v63  }
0x90: {  	_ =	swait.ge @!p3 [sflag:s0], $0x5000  }
0x91: {  	s17 =	sadd.s32 $0x3C000, s17;
	[sflag:s0] =	ssyncset.done @!p3 $0x0  }
0x92: {  	[sflag:s0] =	ssyncadd.s32 @!p3 $0xFFFFB000  }
0x93: {  	[tilespmem:s23], [sflag:$0x4] =	stream.linear.gather [hbm4b:s17+s3], $0x5000, $0x38;
	[tilespmem:$0x19520] =	vst v63  }
0x94: {  	_ = 	snop  }
0x95: {  	[tilespmem:s24], [sflag:$0x4] =	stream.linear.gather [hbm4b:s7+s3], $0xA0, $0x38;
	[tilespmem:$0x19520] =	vst v63  }
0x96: {  	_ =	swait.ge [sflag:s25], $0x5000  }
0x97: {  	[sflag:s25] =	ssyncset.done $0x0  }
0x98: {  	[sflag:s25] =	ssyncadd.s32 $0xFFFFB000  }
0x99: {  	_ =	swait.ge [sflag:s25], $0xA0  }
0x9a: {  	s0 =	sadd.s32 $0xFFFFFFFE, s8;
	s17 =	sadd.s32 $0x14000, s1;
	[sflag:s25] =	ssyncset.done $0x0  }
0x9b: {  	p1 =	sge.u32 s0, s4;
	s0 =	simm.s32 $0x120;
	[sflag:s25] =	ssyncadd.s32 $0xFFFFFF60  }
0x9c: {  	[tilespmem:s15], [sflag:$0xB] =	stream.indirect.gather.add.f32 [spmem:s2], $0x80, s0, s21, $0xb8;
	[tilespmem:$0x19520] =	vst v63  }
0x9d: {  	p3 =	seq.s32 @!p1 s6, $0x0;
	s0 =	sadd.s32 @!p1 s6, s12;
	_ =	swait.ge [sflag:s22], $0x5000  }
0x9e: {  	p4 =	por p3, p1;
	s31 =	sadd.s32 @!p1 $0x50000, s0;
	[sflag:s22] =	ssyncset.done $0x0  }
0x9f: {  	p3 =	sge.u32 @!p1 s8, s4;
	s0 =	simm.s32 @!p4 $0xA;
	[sflag:s22] =	ssyncadd.s32 $0xFFFFB000  }
0xa0: {  	[hbm4b:s17+s3] =	stream.linear.scatter [tilespmem:s15], [sflag:$0x7], $0x5000, $0x38;
	[tilespmem:$0x19520] =	vst v63  }
0xa1: {  	s11 =	sadd.s32 @!p1 s6, s10;
	_ =	swait.ge @!p4 [sflag:s0], $0x5000  }
0xa2: {  	s29 =	simm.s32 @!p1 $0x14520;
	s17 =	simm.s32 @!p1 $0x0;
	[sflag:s0] =	ssyncset.done @!p4 $0x0  }
0xa3: {  	s5 =	sadd.s32 @!p1 $0x280, s7;
	[sflag:s0] =	ssyncadd.s32 @!p4 $0xFFFFB000;
	s0 =	simm.s32 @!p1 $0x420  }
0xa4: {  	[tilespmem:s29], [sflag:$0x5] =	stream.linear.gather @!p1 [hbm4b:s31+s17], $0x5000, $0x38;
	[tilespmem:$0x19520] =	vst v63  }
0xa5: {  	s31 =	sadd.s32 @!p1 $0x50000, s11  }
0xa6: {  	[tilespmem:s0], [sflag:$0x5] =	stream.linear.gather @!p1 [hbm4b:s5+s17], $0xA0, $0x38;
	[tilespmem:$0x19520] =	vst v63  }
0xa7: {  	_ =	swait.ge [sflag:s26], $0x5000  }
0xa8: {  	[sflag:s26] =	ssyncset.done $0x0  }
0xa9: {  	[sflag:s26] =	ssyncadd.s32 $0xFFFFB000  }
0xaa: {  	_ =	swait.ge [sflag:s26], $0xA0  }
0xab: {  	[sflag:s26] =	ssyncset.done $0x0  }
0xac: {  	[sflag:s26] =	ssyncadd.s32 $0xFFFFFF60  }
0xad: {  	[tilespmem:s18], [sflag:$0xB] =	stream.indirect.gather.add.f32 [spmem:s2], $0x80, s19, s21, $0xb8;
	[tilespmem:$0x19520] =	vst v63  }
0xae: {  	s5 =	sadd.s32 $0xFFFFFFFF, s8;
	_ =	swait.ge [sflag:s22], $0x5000  }
0xaf: {  	s11 =	sadd.s32 $0x28000, s1;
	p4 =	sge.u32 s5, s4;
	[sflag:s22] =	ssyncset.done $0x0  }
0xb0: {  	s5 =	simm.s32 @!p4 $0x6;
	s14 =	sadd.s32 @!p4 s6, s12;
	[sflag:s22] =	ssyncadd.s32 $0xFFFFB000  }
0xb1: {  	[hbm4b:s11+s3] =	stream.linear.scatter [tilespmem:s18], [sflag:$0x8], $0x5000, $0x38;
	[tilespmem:$0x19520] =	vst v63  }
0xb2: {  	s11 =	sadd.s32 @!p4 $0x64000, s14;
	_ =	swait.ge @!p4 [sflag:s5], $0x5000  }
0xb3: {  	s16 =	simm.s32 @!p4 $0x520;
	s14 =	simm.s32 @!p4 $0x0;
	[sflag:s5] =	ssyncset.done @!p4 $0x0  }
0xb4: {  	s13 =	simm.s32 @!p4 $0x20;
	[sflag:s5] =	ssyncadd.s32 @!p4 $0xFFFFB000;
	s5 =	sadd.s32 @!p4 $0x500, s7  }
0xb5: {  	[tilespmem:s16], [sflag:$0x1] =	stream.linear.gather @!p4 [hbm4b:s11+s14], $0x5000, $0x38;
	[tilespmem:$0x19520] =	vst v63  }
0xb6: {  	_ = 	snop  }
0xb7: {  	[tilespmem:s13], [sflag:$0x1] =	stream.linear.gather @!p4 [hbm4b:s5+s14], $0xA0, $0x38;
	[tilespmem:$0x19520] =	vst v63  }
0xb8: {  	_ =	swait.ge [sflag:s28], $0x5000  }
0xb9: {  	[sflag:s28] =	ssyncset.done $0x0  }
0xba: {  	[sflag:s28] =	ssyncadd.s32 $0xFFFFB000  }
0xbb: {  	_ =	swait.ge [sflag:s28], $0xA0  }
0xbc: {  	[sflag:s28] =	ssyncset.done $0x0  }
0xbd: {  	[sflag:s28] =	ssyncadd.s32 $0xFFFFFF60  }
0xbe: {  	[tilespmem:s23], [sflag:$0xB] =	stream.indirect.gather.add.f32 [spmem:s2], $0x80, s24, s21, $0xb8;
	[tilespmem:$0x19520] =	vst v63  }
0xbf: {  	_ =	swait.ge [sflag:s22], $0x5000  }
0xc0: {  	p3 =	por p3, p1;
	s1 =	sadd.s32 $0x3C000, s1;
	[sflag:s22] =	ssyncset.done $0x0  }
0xc1: {  	s6 =	sadd.s32 @!p3 s6, s12;
	s5 =	simm.s32 @!p3 $0x7;
	[sflag:s22] =	ssyncadd.s32 $0xFFFFB000  }
0xc2: {  	[hbm4b:s1+s3] =	stream.linear.scatter [tilespmem:s23], [sflag:$0x9], $0x5000, $0x38;
	[tilespmem:$0x19520] =	vst v63  }
0xc3: {  	s1 =	sadd.s32 @!p3 $0x78000, s6;
	s6 =	smov.u32 s30;
	_ =	swait.ge @!p3 [sflag:s5], $0x5000  }
0xc4: {  	s11 =	simm.s32 @!p3 $0x0;
	s13 =	simm.s32 @!p3 $0x5520;
	[sflag:s5] =	ssyncset.done @!p3 $0x0  }
0xc5: {  	s14 =	simm.s32 @!p3 $0x120;
	[sflag:s5] =	ssyncadd.s32 @!p3 $0xFFFFB000;
	s5 =	sadd.s32 @!p3 $0x780, s7  }
0xc6: {  	[tilespmem:s13], [sflag:$0x2] =	stream.linear.gather @!p3 [hbm4b:s1+s11], $0x5000, $0x38;
	[tilespmem:$0x19520] =	vst v63  }
0xc7: {  	s1 =	simm.s32 @!p1 $0x5  }
0xc8: {  	[tilespmem:s14], [sflag:$0x2] =	stream.linear.gather @!p3 [hbm4b:s5+s11], $0xA0, $0x38;
	[tilespmem:$0x19520] =	vst v63  }
0xc9: {  	_ =	swait.ge @!p1 [sflag:s1], $0x5000  }
0xca: {  	[sflag:s1] =	ssyncset.done @!p1 $0x0  }
0xcb: {  	[sflag:s1] =	ssyncadd.s32 @!p1 $0xFFFFB000  }
.Ltmp0:
0xcc: {  	_ =	swait.ge @!p1 [sflag:s1], $0xA0;
	(pc) =	sbr.rel @p2 .LBB2_2-.Ltmp0, $4  }
0xcd: {  	s5 =	simm.s32 @!p1 $0xA0;
	[sflag:s1] =	ssyncset.done @!p1 $0x0  }
0xce: {  	s8 =	sadd.s32 $0x5, s8;
	[sflag:s1] =	ssyncadd.s32 @!p1 $0xFFFFFF60;
	s1 =	simm.s32 @!p1 $0xB  }
0xcf: {  	[tilespmem:s29], [sflag:$0xB] =	stream.indirect.gather.add.f32 @!p1 [spmem:s2], $0x80, s0, s5, $0xb8;
	[tilespmem:$0x19520] =	vst v63  }
0xd0: {  	s7 =	sadd.s32 $0xC80, s7;
	p3 =	seq.s32 s6, $0x0;
	_ =	swait.ge @!p1 [sflag:s1], $0x5000  }
0xd1: {  	[sflag:s1] =	ssyncset.done @!p1 $0x0  }
0xd2: {  	s0 =	simm.s32 @!p3 $0x8;
	[sflag:s1] =	ssyncadd.s32 @!p1 $0xFFFFB000  }
0xd3: {  	[hbm4b:s31+s17] =	stream.linear.scatter @!p1 [tilespmem:s29], [sflag:$0xA], $0x5000, $0x38;
	[tilespmem:$0x19520] =	vst v63  }
0xd4: {  	_ =	swait.ge @!p3 [sflag:s0], $0x5000  }
0xd5: {  	s11 =	sadd.s32 s6, s12;
	[sflag:s0] =	ssyncset.done @!p3 $0x0  }
0xd6: {  	s5 =	sadd.s32 $0x28000, s11;
	[sflag:s0] =	ssyncadd.s32 @!p3 $0xFFFFB000  }
0xd7: {  	[tilespmem:s18], [sflag:$0x3] =	stream.linear.gather [hbm4b:s5+s3], $0x5000, $0x38;
	[tilespmem:$0x19520] =	vst v63  }
0xd8: {  	s13 =	sadd.s32 $0xFFFFFD80, s7  }
0xd9: {  	[tilespmem:s19], [sflag:$0x3] =	stream.linear.gather [hbm4b:s13+s3], $0xA0, $0x38;
	[tilespmem:$0x19520] =	vst v63  }
0xda: {  	_ =	swait.ge [sflag:s20], $0x5000  }
0xdb: {  	[sflag:s20] =	ssyncset.done $0x0  }
0xdc: {  	[sflag:s20] =	ssyncadd.s32 $0xFFFFB000  }
0xdd: {  	_ =	swait.ge [sflag:s20], $0xA0  }
0xde: {  	[sflag:s20] =	ssyncset.done $0x0  }
0xdf: {  	s9 =	simm.s32 $0x520;
	s14 =	simm.s32 $0x20;
	[sflag:s20] =	ssyncadd.s32 $0xFFFFFF60  }
0xe0: {  	[tilespmem:s9], [sflag:$0xB] =	stream.indirect.gather.add.f32 [spmem:s2], $0x80, s14, s21, $0xb8;
	[tilespmem:$0x19520] =	vst v63  }
0xe1: {  	_ =	swait.ge [sflag:s22], $0x5000  }
0xe2: {  	[sflag:s22] =	ssyncset.done $0x0  }
0xe3: {  	s0 =	sadd.s32 s6, s10;
	s5 =	simm.s32 @!p3 $0x9;
	[sflag:s22] =	ssyncadd.s32 $0xFFFFB000  }
0xe4: {  	[hbm4b:s0+s3] =	stream.linear.scatter [tilespmem:s9], [sflag:$0x6], $0x5000, $0x38;
	[tilespmem:$0x19520] =	vst v63  }
0xe5: {  	_ =	swait.ge @!p3 [sflag:s5], $0x5000  }
0xe6: {  	[sflag:s5] =	ssyncset.done @!p3 $0x0  }
0xe7: {  	s1 =	sadd.s32 $0x3C000, s11;
	[sflag:s5] =	ssyncadd.s32 @!p3 $0xFFFFB000  }
0xe8: {  	[tilespmem:s23], [sflag:$0x4] =	stream.linear.gather [hbm4b:s1+s3], $0x5000, $0x38;
	[tilespmem:$0x19520] =	vst v63  }
0xe9: {  	_ = 	snop  }
0xea: {  	[tilespmem:s24], [sflag:$0x4] =	stream.linear.gather [hbm4b:s7+s3], $0xA0, $0x38;
	[tilespmem:$0x19520] =	vst v63  }
0xeb: {  	_ =	swait.ge [sflag:s25], $0x5000  }
0xec: {  	[sflag:s25] =	ssyncset.done $0x0  }
0xed: {  	[sflag:s25] =	ssyncadd.s32 $0xFFFFB000  }
0xee: {  	_ =	swait.ge [sflag:s25], $0xA0  }
0xef: {  	s16 =	sadd.s32 $0xFFFFFFFE, s8;
	[sflag:s25] =	ssyncset.done $0x0  }
0xf0: {  	p1 =	sge.u32 s16, s4;
	s17 =	simm.s32 $0x120;
	[sflag:s25] =	ssyncadd.s32 $0xFFFFFF60  }
0xf1: {  	[tilespmem:s15], [sflag:$0xB] =	stream.indirect.gather.add.f32 [spmem:s2], $0x80, s17, s21, $0xb8;
	[tilespmem:$0x19520] =	vst v63  }
0xf2: {  	p2 =	seq.s32 @!p1 s6, $0x0;
	_ =	swait.ge [sflag:s22], $0x5000  }
0xf3: {  	p2 =	por p2, p1;
	[sflag:s22] =	ssyncset.done $0x0  }
0xf4: {  	s29 =	sadd.s32 $0x14000, s0;
	s5 =	simm.s32 @!p2 $0xA;
	[sflag:s22] =	ssyncadd.s32 $0xFFFFB000  }
0xf5: {  	[hbm4b:s29+s3] =	stream.linear.scatter [tilespmem:s15], [sflag:$0x7], $0x5000, $0x38;
	[tilespmem:$0x19520] =	vst v63  }
0xf6: {  	_ =	swait.ge @!p2 [sflag:s5], $0x5000  }
0xf7: {  	s9 =	simm.s32 @!p1 $0x14520;
	s1 =	sadd.s32 @!p1 s6, s12;
	[sflag:s5] =	ssyncset.done @!p2 $0x0  }
0xf8: {  	s11 =	sadd.s32 @!p1 $0x50000, s1;
	s1 =	simm.s32 @!p1 $0x0;
	[sflag:s5] =	ssyncadd.s32 @!p2 $0xFFFFB000  }
0xf9: {  	[tilespmem:s9], [sflag:$0x5] =	stream.linear.gather @!p1 [hbm4b:s11+s1], $0x5000, $0x38;
	[tilespmem:$0x19520] =	vst v63  }
0xfa: {  	s5 =	sadd.s32 @!p1 $0x280, s7;
	s11 =	simm.s32 @!p1 $0x420  }
0xfb: {  	[tilespmem:s11], [sflag:$0x5] =	stream.linear.gather @!p1 [hbm4b:s5+s1], $0xA0, $0x38;
	[tilespmem:$0x19520] =	vst v63  }
0xfc: {  	_ =	swait.ge [sflag:s26], $0x5000  }
0xfd: {  	[sflag:s26] =	ssyncset.done $0x0  }
0xfe: {  	[sflag:s26] =	ssyncadd.s32 $0xFFFFB000  }
0xff: {  	_ =	swait.ge [sflag:s26], $0xA0  }
0x100: {  	[sflag:s26] =	ssyncset.done $0x0  }
0x101: {  	[sflag:s26] =	ssyncadd.s32 $0xFFFFFF60  }
0x102: {  	[tilespmem:s18], [sflag:$0xB] =	stream.indirect.gather.add.f32 [spmem:s2], $0x80, s19, s21, $0xb8;
	[tilespmem:$0x19520] =	vst v63  }
0x103: {  	s30 =	sadd.s32 $0xFFFFFFFF, s8;
	_ =	swait.ge [sflag:s22], $0x5000  }
0x104: {  	p2 =	sge.u32 s30, s4;
	[sflag:s22] =	ssyncset.done $0x0  }
0x105: {  	s31 =	sadd.s32 $0x28000, s0;
	s13 =	simm.s32 @!p2 $0x6;
	[sflag:s22] =	ssyncadd.s32 $0xFFFFB000  }
0x106: {  	[hbm4b:s31+s3] =	stream.linear.scatter [tilespmem:s18], [sflag:$0x8], $0x5000, $0x38;
	[tilespmem:$0x19520] =	vst v63  }
0x107: {  	_ =	swait.ge @!p2 [sflag:s13], $0x5000  }
0x108: {  	s14 =	simm.s32 @!p2 $0x0;
	s5 =	sadd.s32 @!p2 s6, s12;
	[sflag:s13] =	ssyncset.done @!p2 $0x0  }
0x109: {  	s5 =	sadd.s32 @!p2 $0x64000, s5;
	[sflag:s13] =	ssyncadd.s32 @!p2 $0xFFFFB000;
	s13 =	simm.s32 @!p2 $0x520  }
0x10a: {  	[tilespmem:s13], [sflag:$0x1] =	stream.linear.gather @!p2 [hbm4b:s5+s14], $0x5000, $0x38;
	[tilespmem:$0x19520] =	vst v63  }
0x10b: {  	s5 =	sadd.s32 @!p2 $0x500, s7;
	s13 =	simm.s32 @!p2 $0x20  }
0x10c: {  	[tilespmem:s13], [sflag:$0x1] =	stream.linear.gather @!p2 [hbm4b:s5+s14], $0xA0, $0x38;
	[tilespmem:$0x19520] =	vst v63  }
0x10d: {  	_ =	swait.ge [sflag:s28], $0x5000  }
0x10e: {  	[sflag:s28] =	ssyncset.done $0x0  }
0x10f: {  	[sflag:s28] =	ssyncadd.s32 $0xFFFFB000  }
0x110: {  	_ =	swait.ge [sflag:s28], $0xA0  }
0x111: {  	[sflag:s28] =	ssyncset.done $0x0  }
0x112: {  	[sflag:s28] =	ssyncadd.s32 $0xFFFFFF60  }
0x113: {  	[tilespmem:s23], [sflag:$0xB] =	stream.indirect.gather.add.f32 [spmem:s2], $0x80, s24, s21, $0xb8;
	[tilespmem:$0x19520] =	vst v63  }
0x114: {  	p2 =	sge.u32 @!p1 s8, s4;
	_ =	swait.ge [sflag:s22], $0x5000  }
0x115: {  	p2 =	por p2, p1;
	[sflag:s22] =	ssyncset.done $0x0  }
0x116: {  	s0 =	sadd.s32 $0x3C000, s0;
	s5 =	simm.s32 @!p2 $0x7;
	[sflag:s22] =	ssyncadd.s32 $0xFFFFB000  }
0x117: {  	[hbm4b:s0+s3] =	stream.linear.scatter [tilespmem:s23], [sflag:$0x9], $0x5000, $0x38;
	[tilespmem:$0x19520] =	vst v63  }
0x118: {  	_ =	swait.ge @!p2 [sflag:s5], $0x5000  }
0x119: {  	s8 =	simm.s32 @!p2 $0x0;
	s0 =	sadd.s32 @!p2 s6, s12;
	[sflag:s5] =	ssyncset.done @!p2 $0x0  }
0x11a: {  	s0 =	sadd.s32 @!p2 $0x78000, s0;
	[sflag:s5] =	ssyncadd.s32 @!p2 $0xFFFFB000;
	s5 =	simm.s32 @!p2 $0x5520  }
0x11b: {  	[tilespmem:s5], [sflag:$0x2] =	stream.linear.gather @!p2 [hbm4b:s0+s8], $0x5000, $0x38;
	[tilespmem:$0x19520] =	vst v63  }
0x11c: {  	s0 =	sadd.s32 @!p2 $0x780, s7;
	s5 =	simm.s32 @!p2 $0x120  }
0x11d: {  	[tilespmem:s5], [sflag:$0x2] =	stream.linear.gather @!p2 [hbm4b:s0+s8], $0xA0, $0x38;
	[tilespmem:$0x19520] =	vst v63  }
0x11e: {  	s0 =	simm.s32 @!p1 $0x5  }
0x11f: {  	_ =	swait.ge @!p1 [sflag:s0], $0x5000  }
0x120: {  	[sflag:s0] =	ssyncset.done @!p1 $0x0  }
0x121: {  	[sflag:s0] =	ssyncadd.s32 @!p1 $0xFFFFB000  }
0x122: {  	_ =	swait.ge @!p1 [sflag:s0], $0xA0  }
0x123: {  	[sflag:s0] =	ssyncset.done @!p1 $0x0  }
0x124: {  	[sflag:s0] =	ssyncadd.s32 @!p1 $0xFFFFFF60;
	s0 =	simm.s32 @!p1 $0xA0  }
0x125: {  	[tilespmem:s9], [sflag:$0xB] =	stream.indirect.gather.add.f32 @!p1 [spmem:s2], $0x80, s11, s0, $0xb8;
	[tilespmem:$0x19520] =	vst v63  }
0x126: {  	s0 =	simm.s32 @!p1 $0xB  }
0x127: {  	_ =	swait.ge @!p1 [sflag:s0], $0x5000  }
0x128: {  	s5 =	sadd.s32 @!p1 s6, s10;
	[sflag:s0] =	ssyncset.done @!p1 $0x0  }
0x129: {  	s13 =	simm.s32 $0x6;
	[sflag:s0] =	ssyncadd.s32 @!p1 $0xFFFFB000;
	s0 =	sadd.s32 @!p1 $0x50000, s5  }
0x12a: {  	[hbm4b:s0+s1] =	stream.linear.scatter @!p1 [tilespmem:s9], [sflag:$0xA], $0x5000, $0x38;
	[tilespmem:$0x19520] =	vst v63  }
0x12b: {  	_ =	swait.ge [sflag:s13], $0x5000  }
0x12c: {  	[sflag:s13] =	ssyncset.done $0x0  }
0x12d: {  	s14 =	simm.s32 $0x7;
	[sflag:s13] =	ssyncadd.s32 $0xFFFFB000  }
0x12e: {  	_ =	swait.ge [sflag:s14], $0x5000  }
0x12f: {  	[sflag:s14] =	ssyncset.done $0x0  }
0x130: {  	s16 =	simm.s32 $0x8;
	[sflag:s14] =	ssyncadd.s32 $0xFFFFB000  }
0x131: {  	_ =	swait.ge [sflag:s16], $0x5000  }
0x132: {  	[sflag:s16] =	ssyncset.done $0x0  }
0x133: {  	s17 =	simm.s32 $0x9;
	[sflag:s16] =	ssyncadd.s32 $0xFFFFB000  }
0x134: {  	_ =	swait.ge [sflag:s17], $0x5000  }
0x135: {  	[sflag:s17] =	ssyncset.done $0x0  }
0x136: {  	s29 =	simm.s32 $0xA;
	[sflag:s17] =	ssyncadd.s32 $0xFFFFB000  }
0x137: {  	_ =	swait.ge [sflag:s29], $0x5000  }
0x138: {  	s30 =	rddreg [dreg:$0xd]  }
0x139: {  	s31 =	rddreg [dreg:$0xa];
	s5 =	sadd.s32 $0x1, s30  }
0x13a: {  	p1 =	sne.s32 s5, s31  }
.Ltmp1:
0x13b: {  	_ = 	snop;
	(pc) =	sbr.rel @p1 .LBB2_1-.Ltmp1, $3  }
0x13c: {  	_ =	sdelay $0x1  }
0x13d: {  	[sflag:s29] =	ssyncset.done $0x0  }
0x13e: {  	[sflag:s29] =	ssyncadd.s32 $0xFFFFB000  }
0x13f: {  	_ =	sfence.sel $0x180000  }
0x140: {  	[bflag:$0x0] =	sbarrier.arrive $0xFFFF  }
0x141: {  	_ =	strace $0x90000047  }
0x142: {  	[bflag:$0x2] =	sbarrier.arrive $0xFFFF  }
0x143: {  	s0 =	rddreg [dreg:$0x5]  }
0x144: {  	s0 =	sadd.s32 @!p0 $0x100000, s0  }
0x145: {  	[sflag:s0] =	ssyncadd.tile.s32 @!p0 $0x1;
	_ =	shalt  }
.Lfunc_end2:
_tile_overlayer_lowered:
.L_overlay_start_2:
0x146: {  	(tag) =	ssettag $0x2  }
0x147: {  	s0 =	rddreg [dreg:$0x0];
	s2 =	stileid.u32  }
0x148: {  	s1 =	rddreg [dreg:$0x1];
	p0 =	sne.s32 s2, $0x0  }
0x149: {  	s3 =	rddreg [dreg:$0x2];
	[bflag:$0x3] =	sbarrier.arrive $0xFFFF;
	s2 =	simm.s32 @!p0 $0x1C0B  }
0x14a: {  	[timem:s3], [sflag:s2] =	dma.local @!p0 [hbm:s0], s1  }
0x14b: {  	s0 =	simm.s32 @!p0 $0xB  }
0x14c: {  	_ =	swait.ge @!p0 [sflag:s0], s1  }
0x14d: {  	s1 =	ssub.s32 @!p0 $0x0, s1;
	[sflag:s0] =	ssyncset.done @!p0 $0x0  }
0x14e: {  	[sflag:s0] =	ssyncadd.s32 @!p0 s1  }
0x14f: {  	[bflag:$0x3] =	sbarrier.arrive $0xFFFF  }
0x150: {  	_ =	shalt  }

</sc_bundles>
